<compile_context>
chip_gen: v7x
topology: tpu7x:2x2x1
jax: 0.10.2.dev20260603
libtpu: 0.0.44.dev20260713+nightly
codegen_flags: <defaults>
</compile_context>

<pallas_src>
import functools

import jax
import jax.numpy as jnp
from jax import lax
from jax.experimental import pallas as pl
from jax.experimental.pallas import tpu as pltpu
from jax.experimental.pallas import tpu_sc as plsc

_NC = 2
_NS = 16
_NW = _NC * _NS
_K = 2
_NBUF = 4
_TB = 256


@functools.cache
def _build_gather(batch: int, hist: int, n_emb: int, feat: int):
    rpw = batch // _NW
    nblk = rpw // _K
    assert batch == _NW * rpw and rpw % _K == 0 and n_emb % 2 == 0
    assert nblk % _NBUF == 0 and nblk // _NBUF >= 2 and 16 <= hist <= 128
    mesh = plsc.VectorSubcoreMesh(core_axis_name="c", subcore_axis_name="s")

    @functools.partial(
        pl.kernel,
        out_type=jax.ShapeDtypeStruct((batch, hist, feat), jnp.int32),
        mesh=mesh,
        scratch_types=[
            pltpu.VMEM((rpw, hist), jnp.int32),
            pltpu.VMEM((rpw, hist), jnp.int32),
        ]
        + [pltpu.VMEM((_K, hist, feat), jnp.int32) for _ in range(_NBUF)]
        + [pltpu.SemaphoreType.DMA] * (2 * _NBUF),
        compiler_params=pltpu.CompilerParams(use_tc_tiling_on_sc=True),
    )
    def gather_kernel(table_hbm, idx_hbm, g_hbm, idx_v, rind_v, *rest):
        tab32 = table_hbm.bitcast(jnp.int32)
        gbufs = rest[:_NBUF]
        gsems = rest[_NBUF:2 * _NBUF]
        ssems = rest[2 * _NBUF:]
        wid = lax.axis_index("s") * _NC + lax.axis_index("c")
        row0 = wid * rpw
        pltpu.sync_copy(idx_hbm.at[pl.ds(row0, rpw)], idx_v)

        offs = list(range(0, hist - 15, 16))
        if offs[-1] != hist - 16:
            offs.append(hist - 16)

        def prep_body(b, carry):
            for off in offs:
                rind_v[b, pl.ds(off, 16)] = idx_v[b, pl.ds(off, 16)] >> 1
            return carry

        lax.fori_loop(0, rpw, prep_body, 0)

        def fire(t, b):
            for k in range(_K):
                pltpu.async_copy(
                    tab32.at[rind_v.at[t * _K + k]], gbufs[b].at[k], gsems[b]
                )

        def drain_g(b):
            pltpu.make_async_copy(
                g_hbm.at[pl.ds(0, _K)], gbufs[b], gsems[b]
            ).wait()

        def store_o(t, b):
            pltpu.async_copy(
                gbufs[b], g_hbm.at[pl.ds(row0 + t * _K, _K)], ssems[b]
            )

        def wait_s(b):
            pltpu.make_async_copy(
                gbufs[b], g_hbm.at[pl.ds(0, _K)], ssems[b]
            ).wait()

        for b in range(_NBUF):
            fire(b, b)

        def body(i, carry):
            for b in range(_NBUF):
                drain_g(b)
                store_o(i * _NBUF + b, b)
            for b in range(_NBUF):
                wait_s(b)
                fire(i * _NBUF + b + _NBUF, b)
            return carry

        lax.fori_loop(0, nblk // _NBUF - 1, body, 0)

        t0 = nblk - _NBUF
        for b in range(_NBUF):
            drain_g(b)
            store_o(t0 + b, b)
        for b in range(_NBUF):
            wait_s(b)

    return gather_kernel


def _extract_body(idx_ref, g_ref, o_ref):
    sh = (idx_ref[...] & 1) << 4
    v = (g_ref[...] >> sh[:, :, None]) & 0xFFFF
    o_ref[...] = lax.bitcast_convert_type(
        v.astype(jnp.uint16), jnp.bfloat16
    )


@functools.cache
def _build_extract(batch: int, hist: int, feat: int):
    assert batch % _TB == 0
    return pl.pallas_call(
        _extract_body,
        grid=(batch // _TB,),
        in_specs=[
            pl.BlockSpec((_TB, hist), lambda i: (i, 0)),
            pl.BlockSpec((_TB, hist, feat), lambda i: (i, 0, 0)),
        ],
        out_specs=pl.BlockSpec((_TB, hist, feat), lambda i: (i, 0, 0)),
        out_shape=jax.ShapeDtypeStruct((batch, hist, feat), jnp.bfloat16),
    )


def kernel(inputs, embedding):
    batch, hist = inputs.shape
    n_emb, feat = embedding.shape
    idx = inputs.astype(jnp.int32)
    g = _build_gather(batch, hist, n_emb, feat)(embedding, idx)
    return _build_extract(batch, hist, feat)(idx, g)

# --- scband reference (transcript-rebuilt; emitter-appended) ---
"""Pipeline reference for scband-embed-86698209837716 (READ-ONLY COPY).

The authoritative reference and input builder live on the scoring server;
editing this copy changes nothing except your own understanding.
"""

import jax, jax.numpy as jnp
import numpy as np

NUM_EMBEDDINGS = 100000
FEATURES = 128
BATCH = 4096
HIST_LEN = 50


def setup_inputs(seed: int = 0) -> dict:
    key = jax.random.key(seed)
    k_idx, k_emb = jax.random.split(key)
    inputs = jax.random.randint(k_idx, (BATCH, HIST_LEN), 0, NUM_EMBEDDINGS, dtype=jnp.int64 if jax.config.jax_enable_x64 else jnp.int32)
    # Learned parameter: embedding table stored in bfloat16 (flax default param_dtype)
    embedding = jax.random.normal(k_emb, (NUM_EMBEDDINGS, FEATURES), dtype=jnp.bfloat16)
    return {"inputs": inputs, "embedding": embedding}


def reference(inputs, embedding):
    # Faithful to Embed.__call__: promote_dtype with dtype == param dtype (bfloat16),
    # inexact=False -> table stays bfloat16; gather rows along axis 0.
    emb = embedding.astype(jnp.bfloat16)
    output = emb[inputs]  # shape (BATCH, HIST_LEN, FEATURES)
    return output

if __name__ == "__main__":
    import jax
    _d = setup_inputs()
    print(jax.jit(kernel)(*tuple(_d.values())))

</pallas_src>

<mosaic_0001>
#map = affine_map<(d0, d1) -> (0, 0)>
#map1 = affine_map<(d0, d1) -> (0, 0, 0)>
module attributes {stable_mosaic.version = 14 : i64} {
  func.func @gather_kernel(%arg0: i32, %arg1: i32, %arg2: memref<100000x128xbf16, #tpu.memory_space<hbm>>, %arg3: memref<4096x50xi32, #tpu.memory_space<hbm>>, %arg4: memref<4096x50x128xi32, #tpu.memory_space<hbm>>, %arg5: memref<128x50xi32, #tpu.memory_space<vmem>>, %arg6: memref<128x50xi32, #tpu.memory_space<vmem>>, %arg7: memref<2x50x128xi32, #tpu.memory_space<vmem>>, %arg8: memref<2x50x128xi32, #tpu.memory_space<vmem>>, %arg9: memref<2x50x128xi32, #tpu.memory_space<vmem>>, %arg10: memref<2x50x128xi32, #tpu.memory_space<vmem>>, %arg11: memref<!tpu.dma_semaphore, #tpu.memory_space<semaphore_mem>>, %arg12: memref<!tpu.dma_semaphore, #tpu.memory_space<semaphore_mem>>, %arg13: memref<!tpu.dma_semaphore, #tpu.memory_space<semaphore_mem>>, %arg14: memref<!tpu.dma_semaphore, #tpu.memory_space<semaphore_mem>>, %arg15: memref<!tpu.dma_semaphore, #tpu.memory_space<semaphore_mem>>, %arg16: memref<!tpu.dma_semaphore, #tpu.memory_space<semaphore_mem>>, %arg17: memref<!tpu.dma_semaphore, #tpu.memory_space<semaphore_mem>>, %arg18: memref<!tpu.dma_semaphore, #tpu.memory_space<semaphore_mem>>) attributes {dimension_semantics = [#tpu.dimension_semantics<core_parallel>, #tpu.dimension_semantics<subcore_parallel>], iteration_bounds = array<i64: 2, 16>, scalar_prefetch = 0 : i64, scratch_operands = 14 : i64, tpu.core_type = #tpu.core_type<sc_vector_subcore>, window_params = [{transform_indices = #map}, {transform_indices = #map}, {transform_indices = #map1}]} {
    %mul3A = arith.constant 2 : i32
    %mul3A_0 = arith.muli %arg1, %mul3A : i32
    %add3A = arith.addi %mul3A_0, %arg0 : i32
    %mul3A_1 = arith.constant 128 : i32
    %mul3A_2 = arith.muli %add3A, %mul3A_1 : i32
    "tpu.region"() ({
      %run_scoped3A = tpu.sem_alloc : memref<!tpu.dma_semaphore, #tpu.memory_space<semaphore_mem>>
      %dma_start3A_212 = arith.constant 0 : i32
      %dma_start3A_213 = tpu.memref_slice %arg3[%mul3A_2, %dma_start3A_212] : memref<4096x50xi32, #tpu.memory_space<hbm>> -> memref<128x50xi32, #tpu.memory_space<hbm>>
      %dma_start3A_214 = arith.constant 0 : i32
      %dma_start3A_215 = tpu.memref_slice %arg3[%mul3A_2, %dma_start3A_214] : memref<4096x50xi32, #tpu.memory_space<hbm>> -> memref<128x50xi32, #tpu.memory_space<hbm>>
      tpu.enqueue_dma source(%dma_start3A_215 : memref<128x50xi32, #tpu.memory_space<hbm>>) target(%arg5 : memref<128x50xi32, #tpu.memory_space<vmem>>) target_semaphore(%run_scoped3A : memref<!tpu.dma_semaphore, #tpu.memory_space<semaphore_mem>>)
      %dma_wait3A_216 = arith.constant 0 : i32
      %dma_wait3A_217 = tpu.memref_slice %arg3[%mul3A_2, %dma_wait3A_216] : memref<4096x50xi32, #tpu.memory_space<hbm>> -> memref<128x50xi32, #tpu.memory_space<hbm>>
      %dma_wait3A_218 = arith.constant 0 : i32
      %dma_wait3A_219 = tpu.memref_slice %arg3[%mul3A_2, %dma_wait3A_218] : memref<4096x50xi32, #tpu.memory_space<hbm>> -> memref<128x50xi32, #tpu.memory_space<hbm>>
      tpu.wait_dma2 semaphore(%run_scoped3A : memref<!tpu.dma_semaphore, #tpu.memory_space<semaphore_mem>>) src(%dma_wait3A_219 : memref<128x50xi32, #tpu.memory_space<hbm>>) dst(%arg5 : memref<128x50xi32, #tpu.memory_space<vmem>>)
      tpu.yield
    }) : () -> ()
    %scan3A = arith.constant 0 : i32
    %scan3A_3 = arith.constant 0 : i32
    %scan3A_4 = arith.constant 128 : i32
    %scan3A_5 = arith.addi %scan3A_3, %scan3A_4 : i32
    %scan3A_6 = arith.constant 1 : i32
    scf.for %scan3A_212 = %scan3A_3 to %scan3A_5 step %scan3A_6  : i32 {
      %get3A = arith.index_cast %scan3A_212 : i32 to index
      %get3A_213 = arith.constant 0 : index
      %get3A_214 = tpu.vector_load %arg5[%get3A, %get3A_213] {strides = array<i32>} : memref<128x50xi32, #tpu.memory_space<vmem>>, vector<1x16xi32>,
      %get3A_215 = vector.shape_cast %get3A_214 : vector<1x16xi32> to vector<16xi32>
      %shift_right_arithmetic3A = arith.constant 1 : i32
      %shift_right_arithmetic3A_216 = vector.broadcast %shift_right_arithmetic3A : i32 to vector<16xi32>
      %shift_right_arithmetic3A_217 = arith.shrsi %get3A_215, %shift_right_arithmetic3A_216 : vector<16xi32>
      %swap3A = arith.index_cast %scan3A_212 : i32 to index
      %swap3A_218 = arith.constant 0 : index
      %swap3A_219 = tpu.vector_load %arg6[%swap3A, %swap3A_218] {strides = array<i32>} : memref<128x50xi32, #tpu.memory_space<vmem>>, vector<1x16xi32>,
      %swap3A_220 = vector.shape_cast %swap3A_219 : vector<1x16xi32> to vector<16xi32>
      %swap3A_221 = vector.shape_cast %shift_right_arithmetic3A_217 : vector<16xi32> to vector<1x16xi32>
      tpu.vector_store %arg6[%swap3A, %swap3A_218], %swap3A_221 {strides = array<i32>} : memref<128x50xi32, #tpu.memory_space<vmem>>, vector<1x16xi32>,
      %get3A_222 = arith.index_cast %scan3A_212 : i32 to index
      %get3A_223 = arith.constant 16 : index
      %get3A_224 = tpu.vector_load %arg5[%get3A_222, %get3A_223] {strides = array<i32>} : memref<128x50xi32, #tpu.memory_space<vmem>>, vector<1x16xi32>,
      %get3A_225 = vector.shape_cast %get3A_224 : vector<1x16xi32> to vector<16xi32>
      %shift_right_arithmetic3A_226 = arith.constant 1 : i32
      %shift_right_arithmetic3A_227 = vector.broadcast %shift_right_arithmetic3A_226 : i32 to vector<16xi32>
      %shift_right_arithmetic3A_228 = arith.shrsi %get3A_225, %shift_right_arithmetic3A_227 : vector<16xi32>
      %swap3A_229 = arith.index_cast %scan3A_212 : i32 to index
      %swap3A_230 = arith.constant 16 : index
      %swap3A_231 = tpu.vector_load %arg6[%swap3A_229, %swap3A_230] {strides = array<i32>} : memref<128x50xi32, #tpu.memory_space<vmem>>, vector<1x16xi32>,
      %swap3A_232 = vector.shape_cast %swap3A_231 : vector<1x16xi32> to vector<16xi32>
      %swap3A_233 = vector.shape_cast %shift_right_arithmetic3A_228 : vector<16xi32> to vector<1x16xi32>
      tpu.vector_store %arg6[%swap3A_229, %swap3A_230], %swap3A_233 {strides = array<i32>} : memref<128x50xi32, #tpu.memory_space<vmem>>, vector<1x16xi32>,
      %get3A_234 = arith.index_cast %scan3A_212 : i32 to index
      %get3A_235 = arith.constant 32 : index
      %get3A_236 = tpu.vector_load %arg5[%get3A_234, %get3A_235] {strides = array<i32>} : memref<128x50xi32, #tpu.memory_space<vmem>>, vector<1x16xi32>,
      %get3A_237 = vector.shape_cast %get3A_236 : vector<1x16xi32> to vector<16xi32>
      %shift_right_arithmetic3A_238 = arith.constant 1 : i32
      %shift_right_arithmetic3A_239 = vector.broadcast %shift_right_arithmetic3A_238 : i32 to vector<16xi32>
      %shift_right_arithmetic3A_240 = arith.shrsi %get3A_237, %shift_right_arithmetic3A_239 : vector<16xi32>
      %swap3A_241 = arith.index_cast %scan3A_212 : i32 to index
      %swap3A_242 = arith.constant 32 : index
      %swap3A_243 = tpu.vector_load %arg6[%swap3A_241, %swap3A_242] {strides = array<i32>} : memref<128x50xi32, #tpu.memory_space<vmem>>, vector<1x16xi32>,
      %swap3A_244 = vector.shape_cast %swap3A_243 : vector<1x16xi32> to vector<16xi32>
      %swap3A_245 = vector.shape_cast %shift_right_arithmetic3A_240 : vector<16xi32> to vector<1x16xi32>
      tpu.vector_store %arg6[%swap3A_241, %swap3A_242], %swap3A_245 {strides = array<i32>} : memref<128x50xi32, #tpu.memory_space<vmem>>, vector<1x16xi32>,
      %get3A_246 = arith.index_cast %scan3A_212 : i32 to index
      %get3A_247 = arith.constant 34 : index
      %get3A_248 = tpu.vector_load %arg5[%get3A_246, %get3A_247] {strides = array<i32>} : memref<128x50xi32, #tpu.memory_space<vmem>>, vector<1x16xi32>,
      %get3A_249 = vector.shape_cast %get3A_248 : vector<1x16xi32> to vector<16xi32>
      %shift_right_arithmetic3A_250 = arith.constant 1 : i32
      %shift_right_arithmetic3A_251 = vector.broadcast %shift_right_arithmetic3A_250 : i32 to vector<16xi32>
      %shift_right_arithmetic3A_252 = arith.shrsi %get3A_249, %shift_right_arithmetic3A_251 : vector<16xi32>
      %swap3A_253 = arith.index_cast %scan3A_212 : i32 to index
      %swap3A_254 = arith.constant 34 : index
      %swap3A_255 = tpu.vector_load %arg6[%swap3A_253, %swap3A_254] {strides = array<i32>} : memref<128x50xi32, #tpu.memory_space<vmem>>, vector<1x16xi32>,
      %swap3A_256 = vector.shape_cast %swap3A_255 : vector<1x16xi32> to vector<16xi32>
      %swap3A_257 = vector.shape_cast %shift_right_arithmetic3A_252 : vector<16xi32> to vector<1x16xi32>
      tpu.vector_store %arg6[%swap3A_253, %swap3A_254], %swap3A_257 {strides = array<i32>} : memref<128x50xi32, #tpu.memory_space<vmem>>, vector<1x16xi32>,
    }
    %scan3A_7 = arith.constant 128 : i32
    %dma_start3A = arith.constant 0 : i32
    %dma_start3A_8 = arith.constant 0 : i32
    %dma_start3A_9 = arith.constant 0 : i32
    %dma_start3A_10 = arith.constant 0 : i32
    %dma_start3A_11 = tpu.memref_slice %arg7[%dma_start3A_8, %dma_start3A_9, %dma_start3A_10] : memref<2x50x128xi32, #tpu.memory_space<vmem>> -> memref<1x50x128xi32, #tpu.memory_space<vmem>>
    %dma_start3A_12 = tpu.memref_squeeze %dma_start3A_11 : memref<1x50x128xi32, #tpu.memory_space<vmem>> -> memref<50x128xi32, #tpu.memory_space<vmem>>
    %dma_start3A_13 = arith.constant 0 : i32
    %dma_start3A_14 = tpu.memref_slice %arg6[%dma_start3A, %dma_start3A_13] : memref<128x50xi32, #tpu.memory_space<vmem>> -> memref<1x50xi32, #tpu.memory_space<vmem>>
    %dma_start3A_15 = tpu.memref_squeeze %dma_start3A_14 : memref<1x50xi32, #tpu.memory_space<vmem>> -> memref<50xi32, #tpu.memory_space<vmem>>
    %dma_start3A_16 = tpu.memref_bitcast %arg2 : memref<100000x128xbf16, #tpu.memory_space<hbm>> -> memref<50000x128xi32, #tpu.memory_space<hbm>>
    %dma_start3A_17 = arith.constant 0 : i32
    %dma_start3A_18 = arith.constant 0 : i32
    %dma_start3A_19 = tpu.memref_slice %dma_start3A_16[%dma_start3A_17, %dma_start3A_18] : memref<50000x128xi32, #tpu.memory_space<hbm>> -> memref<50000x128xi32, #tpu.memory_space<hbm>>
    tpu.enqueue_indirect_dma source(%dma_start3A_19 : memref<50000x128xi32, #tpu.memory_space<hbm>>) target(%dma_start3A_12 : memref<50x128xi32, #tpu.memory_space<vmem>>) offsets(%dma_start3A_15 : memref<50xi32, #tpu.memory_space<vmem>>) semaphore(%arg11 : memref<!tpu.dma_semaphore, #tpu.memory_space<semaphore_mem>>)
    %dma_start3A_20 = arith.constant 1 : i32
    %dma_start3A_21 = arith.constant 1 : i32
    %dma_start3A_22 = arith.constant 0 : i32
    %dma_start3A_23 = arith.constant 0 : i32
    %dma_start3A_24 = tpu.memref_slice %arg7[%dma_start3A_21, %dma_start3A_22, %dma_start3A_23] : memref<2x50x128xi32, #tpu.memory_space<vmem>> -> memref<1x50x128xi32, #tpu.memory_space<vmem>>
    %dma_start3A_25 = tpu.memref_squeeze %dma_start3A_24 : memref<1x50x128xi32, #tpu.memory_space<vmem>> -> memref<50x128xi32, #tpu.memory_space<vmem>>
    %dma_start3A_26 = arith.constant 0 : i32
    %dma_start3A_27 = tpu.memref_slice %arg6[%dma_start3A_20, %dma_start3A_26] : memref<128x50xi32, #tpu.memory_space<vmem>> -> memref<1x50xi32, #tpu.memory_space<vmem>>
    %dma_start3A_28 = tpu.memref_squeeze %dma_start3A_27 : memref<1x50xi32, #tpu.memory_space<vmem>> -> memref<50xi32, #tpu.memory_space<vmem>>
    %dma_start3A_29 = tpu.memref_bitcast %arg2 : memref<100000x128xbf16, #tpu.memory_space<hbm>> -> memref<50000x128xi32, #tpu.memory_space<hbm>>
    %dma_start3A_30 = arith.constant 0 : i32
    %dma_start3A_31 = arith.constant 0 : i32
    %dma_start3A_32 = tpu.memref_slice %dma_start3A_29[%dma_start3A_30, %dma_start3A_31] : memref<50000x128xi32, #tpu.memory_space<hbm>> -> memref<50000x128xi32, #tpu.memory_space<hbm>>
    tpu.enqueue_indirect_dma source(%dma_start3A_32 : memref<50000x128xi32, #tpu.memory_space<hbm>>) target(%dma_start3A_25 : memref<50x128xi32, #tpu.memory_space<vmem>>) offsets(%dma_start3A_28 : memref<50xi32, #tpu.memory_space<vmem>>) semaphore(%arg11 : memref<!tpu.dma_semaphore, #tpu.memory_space<semaphore_mem>>)
    %dma_start3A_33 = arith.constant 2 : i32
    %dma_start3A_34 = arith.constant 0 : i32
    %dma_start3A_35 = arith.constant 0 : i32
    %dma_start3A_36 = arith.constant 0 : i32
    %dma_start3A_37 = tpu.memref_slice %arg8[%dma_start3A_34, %dma_start3A_35, %dma_start3A_36] : memref<2x50x128xi32, #tpu.memory_space<vmem>> -> memref<1x50x128xi32, #tpu.memory_space<vmem>>
    %dma_start3A_38 = tpu.memref_squeeze %dma_start3A_37 : memref<1x50x128xi32, #tpu.memory_space<vmem>> -> memref<50x128xi32, #tpu.memory_space<vmem>>
    %dma_start3A_39 = arith.constant 0 : i32
    %dma_start3A_40 = tpu.memref_slice %arg6[%dma_start3A_33, %dma_start3A_39] : memref<128x50xi32, #tpu.memory_space<vmem>> -> memref<1x50xi32, #tpu.memory_space<vmem>>
    %dma_start3A_41 = tpu.memref_squeeze %dma_start3A_40 : memref<1x50xi32, #tpu.memory_space<vmem>> -> memref<50xi32, #tpu.memory_space<vmem>>
    %dma_start3A_42 = tpu.memref_bitcast %arg2 : memref<100000x128xbf16, #tpu.memory_space<hbm>> -> memref<50000x128xi32, #tpu.memory_space<hbm>>
    %dma_start3A_43 = arith.constant 0 : i32
    %dma_start3A_44 = arith.constant 0 : i32
    %dma_start3A_45 = tpu.memref_slice %dma_start3A_42[%dma_start3A_43, %dma_start3A_44] : memref<50000x128xi32, #tpu.memory_space<hbm>> -> memref<50000x128xi32, #tpu.memory_space<hbm>>
    tpu.enqueue_indirect_dma source(%dma_start3A_45 : memref<50000x128xi32, #tpu.memory_space<hbm>>) target(%dma_start3A_38 : memref<50x128xi32, #tpu.memory_space<vmem>>) offsets(%dma_start3A_41 : memref<50xi32, #tpu.memory_space<vmem>>) semaphore(%arg12 : memref<!tpu.dma_semaphore, #tpu.memory_space<semaphore_mem>>)
    %dma_start3A_46 = arith.constant 3 : i32
    %dma_start3A_47 = arith.constant 1 : i32
    %dma_start3A_48 = arith.constant 0 : i32
    %dma_start3A_49 = arith.constant 0 : i32
    %dma_start3A_50 = tpu.memref_slice %arg8[%dma_start3A_47, %dma_start3A_48, %dma_start3A_49] : memref<2x50x128xi32, #tpu.memory_space<vmem>> -> memref<1x50x128xi32, #tpu.memory_space<vmem>>
    %dma_start3A_51 = tpu.memref_squeeze %dma_start3A_50 : memref<1x50x128xi32, #tpu.memory_space<vmem>> -> memref<50x128xi32, #tpu.memory_space<vmem>>
    %dma_start3A_52 = arith.constant 0 : i32
    %dma_start3A_53 = tpu.memref_slice %arg6[%dma_start3A_46, %dma_start3A_52] : memref<128x50xi32, #tpu.memory_space<vmem>> -> memref<1x50xi32, #tpu.memory_space<vmem>>
    %dma_start3A_54 = tpu.memref_squeeze %dma_start3A_53 : memref<1x50xi32, #tpu.memory_space<vmem>> -> memref<50xi32, #tpu.memory_space<vmem>>
    %dma_start3A_55 = tpu.memref_bitcast %arg2 : memref<100000x128xbf16, #tpu.memory_space<hbm>> -> memref<50000x128xi32, #tpu.memory_space<hbm>>
    %dma_start3A_56 = arith.constant 0 : i32
    %dma_start3A_57 = arith.constant 0 : i32
    %dma_start3A_58 = tpu.memref_slice %dma_start3A_55[%dma_start3A_56, %dma_start3A_57] : memref<50000x128xi32, #tpu.memory_space<hbm>> -> memref<50000x128xi32, #tpu.memory_space<hbm>>
    tpu.enqueue_indirect_dma source(%dma_start3A_58 : memref<50000x128xi32, #tpu.memory_space<hbm>>) target(%dma_start3A_51 : memref<50x128xi32, #tpu.memory_space<vmem>>) offsets(%dma_start3A_54 : memref<50xi32, #tpu.memory_space<vmem>>) semaphore(%arg12 : memref<!tpu.dma_semaphore, #tpu.memory_space<semaphore_mem>>)
    %dma_start3A_59 = arith.constant 4 : i32
    %dma_start3A_60 = arith.constant 0 : i32
    %dma_start3A_61 = arith.constant 0 : i32
    %dma_start3A_62 = arith.constant 0 : i32
    %dma_start3A_63 = tpu.memref_slice %arg9[%dma_start3A_60, %dma_start3A_61, %dma_start3A_62] : memref<2x50x128xi32, #tpu.memory_space<vmem>> -> memref<1x50x128xi32, #tpu.memory_space<vmem>>
    %dma_start3A_64 = tpu.memref_squeeze %dma_start3A_63 : memref<1x50x128xi32, #tpu.memory_space<vmem>> -> memref<50x128xi32, #tpu.memory_space<vmem>>
    %dma_start3A_65 = arith.constant 0 : i32
    %dma_start3A_66 = tpu.memref_slice %arg6[%dma_start3A_59, %dma_start3A_65] : memref<128x50xi32, #tpu.memory_space<vmem>> -> memref<1x50xi32, #tpu.memory_space<vmem>>
    %dma_start3A_67 = tpu.memref_squeeze %dma_start3A_66 : memref<1x50xi32, #tpu.memory_space<vmem>> -> memref<50xi32, #tpu.memory_space<vmem>>
    %dma_start3A_68 = tpu.memref_bitcast %arg2 : memref<100000x128xbf16, #tpu.memory_space<hbm>> -> memref<50000x128xi32, #tpu.memory_space<hbm>>
    %dma_start3A_69 = arith.constant 0 : i32
    %dma_start3A_70 = arith.constant 0 : i32
    %dma_start3A_71 = tpu.memref_slice %dma_start3A_68[%dma_start3A_69, %dma_start3A_70] : memref<50000x128xi32, #tpu.memory_space<hbm>> -> memref<50000x128xi32, #tpu.memory_space<hbm>>
    tpu.enqueue_indirect_dma source(%dma_start3A_71 : memref<50000x128xi32, #tpu.memory_space<hbm>>) target(%dma_start3A_64 : memref<50x128xi32, #tpu.memory_space<vmem>>) offsets(%dma_start3A_67 : memref<50xi32, #tpu.memory_space<vmem>>) semaphore(%arg13 : memref<!tpu.dma_semaphore, #tpu.memory_space<semaphore_mem>>)
    %dma_start3A_72 = arith.constant 5 : i32
    %dma_start3A_73 = arith.constant 1 : i32
    %dma_start3A_74 = arith.constant 0 : i32
    %dma_start3A_75 = arith.constant 0 : i32
    %dma_start3A_76 = tpu.memref_slice %arg9[%dma_start3A_73, %dma_start3A_74, %dma_start3A_75] : memref<2x50x128xi32, #tpu.memory_space<vmem>> -> memref<1x50x128xi32, #tpu.memory_space<vmem>>
    %dma_start3A_77 = tpu.memref_squeeze %dma_start3A_76 : memref<1x50x128xi32, #tpu.memory_space<vmem>> -> memref<50x128xi32, #tpu.memory_space<vmem>>
    %dma_start3A_78 = arith.constant 0 : i32
    %dma_start3A_79 = tpu.memref_slice %arg6[%dma_start3A_72, %dma_start3A_78] : memref<128x50xi32, #tpu.memory_space<vmem>> -> memref<1x50xi32, #tpu.memory_space<vmem>>
    %dma_start3A_80 = tpu.memref_squeeze %dma_start3A_79 : memref<1x50xi32, #tpu.memory_space<vmem>> -> memref<50xi32, #tpu.memory_space<vmem>>
    %dma_start3A_81 = tpu.memref_bitcast %arg2 : memref<100000x128xbf16, #tpu.memory_space<hbm>> -> memref<50000x128xi32, #tpu.memory_space<hbm>>
    %dma_start3A_82 = arith.constant 0 : i32
    %dma_start3A_83 = arith.constant 0 : i32
    %dma_start3A_84 = tpu.memref_slice %dma_start3A_81[%dma_start3A_82, %dma_start3A_83] : memref<50000x128xi32, #tpu.memory_space<hbm>> -> memref<50000x128xi32, #tpu.memory_space<hbm>>
    tpu.enqueue_indirect_dma source(%dma_start3A_84 : memref<50000x128xi32, #tpu.memory_space<hbm>>) target(%dma_start3A_77 : memref<50x128xi32, #tpu.memory_space<vmem>>) offsets(%dma_start3A_80 : memref<50xi32, #tpu.memory_space<vmem>>) semaphore(%arg13 : memref<!tpu.dma_semaphore, #tpu.memory_space<semaphore_mem>>)
    %dma_start3A_85 = arith.constant 6 : i32
    %dma_start3A_86 = arith.constant 0 : i32
    %dma_start3A_87 = arith.constant 0 : i32
    %dma_start3A_88 = arith.constant 0 : i32
    %dma_start3A_89 = tpu.memref_slice %arg10[%dma_start3A_86, %dma_start3A_87, %dma_start3A_88] : memref<2x50x128xi32, #tpu.memory_space<vmem>> -> memref<1x50x128xi32, #tpu.memory_space<vmem>>
    %dma_start3A_90 = tpu.memref_squeeze %dma_start3A_89 : memref<1x50x128xi32, #tpu.memory_space<vmem>> -> memref<50x128xi32, #tpu.memory_space<vmem>>
    %dma_start3A_91 = arith.constant 0 : i32
    %dma_start3A_92 = tpu.memref_slice %arg6[%dma_start3A_85, %dma_start3A_91] : memref<128x50xi32, #tpu.memory_space<vmem>> -> memref<1x50xi32, #tpu.memory_space<vmem>>
    %dma_start3A_93 = tpu.memref_squeeze %dma_start3A_92 : memref<1x50xi32, #tpu.memory_space<vmem>> -> memref<50xi32, #tpu.memory_space<vmem>>
    %dma_start3A_94 = tpu.memref_bitcast %arg2 : memref<100000x128xbf16, #tpu.memory_space<hbm>> -> memref<50000x128xi32, #tpu.memory_space<hbm>>
    %dma_start3A_95 = arith.constant 0 : i32
    %dma_start3A_96 = arith.constant 0 : i32
    %dma_start3A_97 = tpu.memref_slice %dma_start3A_94[%dma_start3A_95, %dma_start3A_96] : memref<50000x128xi32, #tpu.memory_space<hbm>> -> memref<50000x128xi32, #tpu.memory_space<hbm>>
    tpu.enqueue_indirect_dma source(%dma_start3A_97 : memref<50000x128xi32, #tpu.memory_space<hbm>>) target(%dma_start3A_90 : memref<50x128xi32, #tpu.memory_space<vmem>>) offsets(%dma_start3A_93 : memref<50xi32, #tpu.memory_space<vmem>>) semaphore(%arg14 : memref<!tpu.dma_semaphore, #tpu.memory_space<semaphore_mem>>)
    %dma_start3A_98 = arith.constant 7 : i32
    %dma_start3A_99 = arith.constant 1 : i32
    %dma_start3A_100 = arith.constant 0 : i32
    %dma_start3A_101 = arith.constant 0 : i32
    %dma_start3A_102 = tpu.memref_slice %arg10[%dma_start3A_99, %dma_start3A_100, %dma_start3A_101] : memref<2x50x128xi32, #tpu.memory_space<vmem>> -> memref<1x50x128xi32, #tpu.memory_space<vmem>>
    %dma_start3A_103 = tpu.memref_squeeze %dma_start3A_102 : memref<1x50x128xi32, #tpu.memory_space<vmem>> -> memref<50x128xi32, #tpu.memory_space<vmem>>
    %dma_start3A_104 = arith.constant 0 : i32
    %dma_start3A_105 = tpu.memref_slice %arg6[%dma_start3A_98, %dma_start3A_104] : memref<128x50xi32, #tpu.memory_space<vmem>> -> memref<1x50xi32, #tpu.memory_space<vmem>>
    %dma_start3A_106 = tpu.memref_squeeze %dma_start3A_105 : memref<1x50xi32, #tpu.memory_space<vmem>> -> memref<50xi32, #tpu.memory_space<vmem>>
    %dma_start3A_107 = tpu.memref_bitcast %arg2 : memref<100000x128xbf16, #tpu.memory_space<hbm>> -> memref<50000x128xi32, #tpu.memory_space<hbm>>
    %dma_start3A_108 = arith.constant 0 : i32
    %dma_start3A_109 = arith.constant 0 : i32
    %dma_start3A_110 = tpu.memref_slice %dma_start3A_107[%dma_start3A_108, %dma_start3A_109] : memref<50000x128xi32, #tpu.memory_space<hbm>> -> memref<50000x128xi32, #tpu.memory_space<hbm>>
    tpu.enqueue_indirect_dma source(%dma_start3A_110 : memref<50000x128xi32, #tpu.memory_space<hbm>>) target(%dma_start3A_103 : memref<50x128xi32, #tpu.memory_space<vmem>>) offsets(%dma_start3A_106 : memref<50xi32, #tpu.memory_space<vmem>>) semaphore(%arg14 : memref<!tpu.dma_semaphore, #tpu.memory_space<semaphore_mem>>)
    %scan3A_111 = arith.constant 0 : i32
    %scan3A_112 = arith.constant 0 : i32
    %scan3A_113 = arith.constant 15 : i32
    %scan3A_114 = arith.addi %scan3A_112, %scan3A_113 : i32
    %scan3A_115 = arith.constant 1 : i32
    scf.for %scan3A_212 = %scan3A_112 to %scan3A_114 step %scan3A_115  : i32 {
      %dma_wait3A_213 = arith.constant 0 : i32
      %dma_wait3A_214 = arith.constant 0 : i32
      %dma_wait3A_215 = arith.constant 0 : i32
      %dma_wait3A_216 = tpu.memref_slice %arg4[%dma_wait3A_213, %dma_wait3A_214, %dma_wait3A_215] : memref<4096x50x128xi32, #tpu.memory_space<hbm>> -> memref<2x50x128xi32, #tpu.memory_space<hbm>>
      %dma_wait3A_217 = arith.constant 0 : i32
      %dma_wait3A_218 = arith.constant 0 : i32
      %dma_wait3A_219 = arith.constant 0 : i32
      %dma_wait3A_220 = tpu.memref_slice %arg4[%dma_wait3A_217, %dma_wait3A_218, %dma_wait3A_219] : memref<4096x50x128xi32, #tpu.memory_space<hbm>> -> memref<2x50x128xi32, #tpu.memory_space<hbm>>
      tpu.wait_dma2 semaphore(%arg11 : memref<!tpu.dma_semaphore, #tpu.memory_space<semaphore_mem>>) src(%dma_wait3A_220 : memref<2x50x128xi32, #tpu.memory_space<hbm>>) dst(%arg7 : memref<2x50x128xi32, #tpu.memory_space<vmem>>)
      %mul3A_221 = arith.constant 4 : i32
      %mul3A_222 = arith.muli %scan3A_212, %mul3A_221 : i32
      %add3A_223 = arith.constant 0 : i32
      %add3A_224 = arith.addi %mul3A_222, %add3A_223 : i32
      %mul3A_225 = arith.constant 2 : i32
      %mul3A_226 = arith.muli %add3A_224, %mul3A_225 : i32
      %add3A_227 = arith.addi %mul3A_2, %mul3A_226 : i32
      %dma_start3A_228 = arith.constant 0 : i32
      %dma_start3A_229 = arith.constant 0 : i32
      %dma_start3A_230 = tpu.memref_slice %arg4[%add3A_227, %dma_start3A_228, %dma_start3A_229] : memref<4096x50x128xi32, #tpu.memory_space<hbm>> -> memref<2x50x128xi32, #tpu.memory_space<hbm>>
      %dma_start3A_231 = arith.constant 0 : i32
      %dma_start3A_232 = arith.constant 0 : i32
      %dma_start3A_233 = tpu.memref_slice %arg4[%add3A_227, %dma_start3A_231, %dma_start3A_232] : memref<4096x50x128xi32, #tpu.memory_space<hbm>> -> memref<2x50x128xi32, #tpu.memory_space<hbm>>
      tpu.enqueue_dma source(%arg7 : memref<2x50x128xi32, #tpu.memory_space<vmem>>) target(%dma_start3A_233 : memref<2x50x128xi32, #tpu.memory_space<hbm>>) target_semaphore(%arg15 : memref<!tpu.dma_semaphore, #tpu.memory_space<semaphore_mem>>)
      %dma_wait3A_234 = arith.constant 0 : i32
      %dma_wait3A_235 = arith.constant 0 : i32
      %dma_wait3A_236 = arith.constant 0 : i32
      %dma_wait3A_237 = tpu.memref_slice %arg4[%dma_wait3A_234, %dma_wait3A_235, %dma_wait3A_236] : memref<4096x50x128xi32, #tpu.memory_space<hbm>> -> memref<2x50x128xi32, #tpu.memory_space<hbm>>
      %dma_wait3A_238 = arith.constant 0 : i32
      %dma_wait3A_239 = arith.constant 0 : i32
      %dma_wait3A_240 = arith.constant 0 : i32
      %dma_wait3A_241 = tpu.memref_slice %arg4[%dma_wait3A_238, %dma_wait3A_239, %dma_wait3A_240] : memref<4096x50x128xi32, #tpu.memory_space<hbm>> -> memref<2x50x128xi32, #tpu.memory_space<hbm>>
      tpu.wait_dma2 semaphore(%arg12 : memref<!tpu.dma_semaphore, #tpu.memory_space<semaphore_mem>>) src(%dma_wait3A_241 : memref<2x50x128xi32, #tpu.memory_space<hbm>>) dst(%arg8 : memref<2x50x128xi32, #tpu.memory_space<vmem>>)
      %mul3A_242 = arith.constant 4 : i32
      %mul3A_243 = arith.muli %scan3A_212, %mul3A_242 : i32
      %add3A_244 = arith.constant 1 : i32
      %add3A_245 = arith.addi %mul3A_243, %add3A_244 : i32
      %mul3A_246 = arith.constant 2 : i32
      %mul3A_247 = arith.muli %add3A_245, %mul3A_246 : i32
      %add3A_248 = arith.addi %mul3A_2, %mul3A_247 : i32
      %dma_start3A_249 = arith.constant 0 : i32
      %dma_start3A_250 = arith.constant 0 : i32
      %dma_start3A_251 = tpu.memref_slice %arg4[%add3A_248, %dma_start3A_249, %dma_start3A_250] : memref<4096x50x128xi32, #tpu.memory_space<hbm>> -> memref<2x50x128xi32, #tpu.memory_space<hbm>>
      %dma_start3A_252 = arith.constant 0 : i32
      %dma_start3A_253 = arith.constant 0 : i32
      %dma_start3A_254 = tpu.memref_slice %arg4[%add3A_248, %dma_start3A_252, %dma_start3A_253] : memref<4096x50x128xi32, #tpu.memory_space<hbm>> -> memref<2x50x128xi32, #tpu.memory_space<hbm>>
      tpu.enqueue_dma source(%arg8 : memref<2x50x128xi32, #tpu.memory_space<vmem>>) target(%dma_start3A_254 : memref<2x50x128xi32, #tpu.memory_space<hbm>>) target_semaphore(%arg16 : memref<!tpu.dma_semaphore, #tpu.memory_space<semaphore_mem>>)
      %dma_wait3A_255 = arith.constant 0 : i32
      %dma_wait3A_256 = arith.constant 0 : i32
      %dma_wait3A_257 = arith.constant 0 : i32
      %dma_wait3A_258 = tpu.memref_slice %arg4[%dma_wait3A_255, %dma_wait3A_256, %dma_wait3A_257] : memref<4096x50x128xi32, #tpu.memory_space<hbm>> -> memref<2x50x128xi32, #tpu.memory_space<hbm>>
      %dma_wait3A_259 = arith.constant 0 : i32
      %dma_wait3A_260 = arith.constant 0 : i32
      %dma_wait3A_261 = arith.constant 0 : i32
      %dma_wait3A_262 = tpu.memref_slice %arg4[%dma_wait3A_259, %dma_wait3A_260, %dma_wait3A_261] : memref<4096x50x128xi32, #tpu.memory_space<hbm>> -> memref<2x50x128xi32, #tpu.memory_space<hbm>>
      tpu.wait_dma2 semaphore(%arg13 : memref<!tpu.dma_semaphore, #tpu.memory_space<semaphore_mem>>) src(%dma_wait3A_262 : memref<2x50x128xi32, #tpu.memory_space<hbm>>) dst(%arg9 : memref<2x50x128xi32, #tpu.memory_space<vmem>>)
      %mul3A_263 = arith.constant 4 : i32
      %mul3A_264 = arith.muli %scan3A_212, %mul3A_263 : i32
      %add3A_265 = arith.constant 2 : i32
      %add3A_266 = arith.addi %mul3A_264, %add3A_265 : i32
      %mul3A_267 = arith.constant 2 : i32
      %mul3A_268 = arith.muli %add3A_266, %mul3A_267 : i32
      %add3A_269 = arith.addi %mul3A_2, %mul3A_268 : i32
      %dma_start3A_270 = arith.constant 0 : i32
      %dma_start3A_271 = arith.constant 0 : i32
      %dma_start3A_272 = tpu.memref_slice %arg4[%add3A_269, %dma_start3A_270, %dma_start3A_271] : memref<4096x50x128xi32, #tpu.memory_space<hbm>> -> memref<2x50x128xi32, #tpu.memory_space<hbm>>
      %dma_start3A_273 = arith.constant 0 : i32
      %dma_start3A_274 = arith.constant 0 : i32
      %dma_start3A_275 = tpu.memref_slice %arg4[%add3A_269, %dma_start3A_273, %dma_start3A_274] : memref<4096x50x128xi32, #tpu.memory_space<hbm>> -> memref<2x50x128xi32, #tpu.memory_space<hbm>>
      tpu.enqueue_dma source(%arg9 : memref<2x50x128xi32, #tpu.memory_space<vmem>>) target(%dma_start3A_275 : memref<2x50x128xi32, #tpu.memory_space<hbm>>) target_semaphore(%arg17 : memref<!tpu.dma_semaphore, #tpu.memory_space<semaphore_mem>>)
      %dma_wait3A_276 = arith.constant 0 : i32
      %dma_wait3A_277 = arith.constant 0 : i32
      %dma_wait3A_278 = arith.constant 0 : i32
      %dma_wait3A_279 = tpu.memref_slice %arg4[%dma_wait3A_276, %dma_wait3A_277, %dma_wait3A_278] : memref<4096x50x128xi32, #tpu.memory_space<hbm>> -> memref<2x50x128xi32, #tpu.memory_space<hbm>>
      %dma_wait3A_280 = arith.constant 0 : i32
      %dma_wait3A_281 = arith.constant 0 : i32
      %dma_wait3A_282 = arith.constant 0 : i32
      %dma_wait3A_283 = tpu.memref_slice %arg4[%dma_wait3A_280, %dma_wait3A_281, %dma_wait3A_282] : memref<4096x50x128xi32, #tpu.memory_space<hbm>> -> memref<2x50x128xi32, #tpu.memory_space<hbm>>
      tpu.wait_dma2 semaphore(%arg14 : memref<!tpu.dma_semaphore, #tpu.memory_space<semaphore_mem>>) src(%dma_wait3A_283 : memref<2x50x128xi32, #tpu.memory_space<hbm>>) dst(%arg10 : memref<2x50x128xi32, #tpu.memory_space<vmem>>)
      %mul3A_284 = arith.constant 4 : i32
      %mul3A_285 = arith.muli %scan3A_212, %mul3A_284 : i32
      %add3A_286 = arith.constant 3 : i32
      %add3A_287 = arith.addi %mul3A_285, %add3A_286 : i32
      %mul3A_288 = arith.constant 2 : i32
      %mul3A_289 = arith.muli %add3A_287, %mul3A_288 : i32
      %add3A_290 = arith.addi %mul3A_2, %mul3A_289 : i32
      %dma_start3A_291 = arith.constant 0 : i32
      %dma_start3A_292 = arith.constant 0 : i32
      %dma_start3A_293 = tpu.memref_slice %arg4[%add3A_290, %dma_start3A_291, %dma_start3A_292] : memref<4096x50x128xi32, #tpu.memory_space<hbm>> -> memref<2x50x128xi32, #tpu.memory_space<hbm>>
      %dma_start3A_294 = arith.constant 0 : i32
      %dma_start3A_295 = arith.constant 0 : i32
      %dma_start3A_296 = tpu.memref_slice %arg4[%add3A_290, %dma_start3A_294, %dma_start3A_295] : memref<4096x50x128xi32, #tpu.memory_space<hbm>> -> memref<2x50x128xi32, #tpu.memory_space<hbm>>
      tpu.enqueue_dma source(%arg10 : memref<2x50x128xi32, #tpu.memory_space<vmem>>) target(%dma_start3A_296 : memref<2x50x128xi32, #tpu.memory_space<hbm>>) target_semaphore(%arg18 : memref<!tpu.dma_semaphore, #tpu.memory_space<semaphore_mem>>)
      %dma_wait3A_297 = arith.constant 0 : i32
      %dma_wait3A_298 = arith.constant 0 : i32
      %dma_wait3A_299 = arith.constant 0 : i32
      %dma_wait3A_300 = tpu.memref_slice %arg4[%dma_wait3A_297, %dma_wait3A_298, %dma_wait3A_299] : memref<4096x50x128xi32, #tpu.memory_space<hbm>> -> memref<2x50x128xi32, #tpu.memory_space<hbm>>
      %dma_wait3A_301 = arith.constant 0 : i32
      %dma_wait3A_302 = arith.constant 0 : i32
      %dma_wait3A_303 = arith.constant 0 : i32
      %dma_wait3A_304 = tpu.memref_slice %arg4[%dma_wait3A_301, %dma_wait3A_302, %dma_wait3A_303] : memref<4096x50x128xi32, #tpu.memory_space<hbm>> -> memref<2x50x128xi32, #tpu.memory_space<hbm>>
      tpu.wait_dma2 semaphore(%arg15 : memref<!tpu.dma_semaphore, #tpu.memory_space<semaphore_mem>>) src(%arg7 : memref<2x50x128xi32, #tpu.memory_space<vmem>>) dst(%dma_wait3A_304 : memref<2x50x128xi32, #tpu.memory_space<hbm>>)
      %mul3A_305 = arith.constant 4 : i32
      %mul3A_306 = arith.muli %scan3A_212, %mul3A_305 : i32
      %add3A_307 = arith.constant 0 : i32
      %add3A_308 = arith.addi %mul3A_306, %add3A_307 : i32
      %add3A_309 = arith.constant 4 : i32
      %add3A_310 = arith.addi %add3A_308, %add3A_309 : i32
      %mul3A_311 = arith.constant 2 : i32
      %mul3A_312 = arith.muli %add3A_310, %mul3A_311 : i32
      %add3A_313 = arith.constant 0 : i32
      %add3A_314 = arith.addi %mul3A_312, %add3A_313 : i32
      %dma_start3A_315 = arith.constant 0 : i32
      %dma_start3A_316 = arith.constant 0 : i32
      %dma_start3A_317 = arith.constant 0 : i32
      %dma_start3A_318 = tpu.memref_slice %arg7[%dma_start3A_315, %dma_start3A_316, %dma_start3A_317] : memref<2x50x128xi32, #tpu.memory_space<vmem>> -> memref<1x50x128xi32, #tpu.memory_space<vmem>>
      %dma_start3A_319 = tpu.memref_squeeze %dma_start3A_318 : memref<1x50x128xi32, #tpu.memory_space<vmem>> -> memref<50x128xi32, #tpu.memory_space<vmem>>
      %dma_start3A_320 = arith.constant 0 : i32
      %dma_start3A_321 = tpu.memref_slice %arg6[%add3A_314, %dma_start3A_320] : memref<128x50xi32, #tpu.memory_space<vmem>> -> memref<1x50xi32, #tpu.memory_space<vmem>>
      %dma_start3A_322 = tpu.memref_squeeze %dma_start3A_321 : memref<1x50xi32, #tpu.memory_space<vmem>> -> memref<50xi32, #tpu.memory_space<vmem>>
      %dma_start3A_323 = tpu.memref_bitcast %arg2 : memref<100000x128xbf16, #tpu.memory_space<hbm>> -> memref<50000x128xi32, #tpu.memory_space<hbm>>
      %dma_start3A_324 = arith.constant 0 : i32
      %dma_start3A_325 = arith.constant 0 : i32
      %dma_start3A_326 = tpu.memref_slice %dma_start3A_323[%dma_start3A_324, %dma_start3A_325] : memref<50000x128xi32, #tpu.memory_space<hbm>> -> memref<50000x128xi32, #tpu.memory_space<hbm>>
      tpu.enqueue_indirect_dma source(%dma_start3A_326 : memref<50000x128xi32, #tpu.memory_space<hbm>>) target(%dma_start3A_319 : memref<50x128xi32, #tpu.memory_space<vmem>>) offsets(%dma_start3A_322 : memref<50xi32, #tpu.memory_space<vmem>>) semaphore(%arg11 : memref<!tpu.dma_semaphore, #tpu.memory_space<semaphore_mem>>)
      %mul3A_327 = arith.constant 2 : i32
      %mul3A_328 = arith.muli %add3A_310, %mul3A_327 : i32
      %add3A_329 = arith.constant 1 : i32
      %add3A_330 = arith.addi %mul3A_328, %add3A_329 : i32
      %dma_start3A_331 = arith.constant 1 : i32
      %dma_start3A_332 = arith.constant 0 : i32
      %dma_start3A_333 = arith.constant 0 : i32
      %dma_start3A_334 = tpu.memref_slice %arg7[%dma_start3A_331, %dma_start3A_332, %dma_start3A_333] : memref<2x50x128xi32, #tpu.memory_space<vmem>> -> memref<1x50x128xi32, #tpu.memory_space<vmem>>
      %dma_start3A_335 = tpu.memref_squeeze %dma_start3A_334 : memref<1x50x128xi32, #tpu.memory_space<vmem>> -> memref<50x128xi32, #tpu.memory_space<vmem>>
      %dma_start3A_336 = arith.constant 0 : i32
      %dma_start3A_337 = tpu.memref_slice %arg6[%add3A_330, %dma_start3A_336] : memref<128x50xi32, #tpu.memory_space<vmem>> -> memref<1x50xi32, #tpu.memory_space<vmem>>
      %dma_start3A_338 = tpu.memref_squeeze %dma_start3A_337 : memref<1x50xi32, #tpu.memory_space<vmem>> -> memref<50xi32, #tpu.memory_space<vmem>>
      %dma_start3A_339 = tpu.memref_bitcast %arg2 : memref<100000x128xbf16, #tpu.memory_space<hbm>> -> memref<50000x128xi32, #tpu.memory_space<hbm>>
      %dma_start3A_340 = arith.constant 0 : i32
      %dma_start3A_341 = arith.constant 0 : i32
      %dma_start3A_342 = tpu.memref_slice %dma_start3A_339[%dma_start3A_340, %dma_start3A_341] : memref<50000x128xi32, #tpu.memory_space<hbm>> -> memref<50000x128xi32, #tpu.memory_space<hbm>>
      tpu.enqueue_indirect_dma source(%dma_start3A_342 : memref<50000x128xi32, #tpu.memory_space<hbm>>) target(%dma_start3A_335 : memref<50x128xi32, #tpu.memory_space<vmem>>) offsets(%dma_start3A_338 : memref<50xi32, #tpu.memory_space<vmem>>) semaphore(%arg11 : memref<!tpu.dma_semaphore, #tpu.memory_space<semaphore_mem>>)
      %dma_wait3A_343 = arith.constant 0 : i32
      %dma_wait3A_344 = arith.constant 0 : i32
      %dma_wait3A_345 = arith.constant 0 : i32
      %dma_wait3A_346 = tpu.memref_slice %arg4[%dma_wait3A_343, %dma_wait3A_344, %dma_wait3A_345] : memref<4096x50x128xi32, #tpu.memory_space<hbm>> -> memref<2x50x128xi32, #tpu.memory_space<hbm>>
      %dma_wait3A_347 = arith.constant 0 : i32
      %dma_wait3A_348 = arith.constant 0 : i32
      %dma_wait3A_349 = arith.constant 0 : i32
      %dma_wait3A_350 = tpu.memref_slice %arg4[%dma_wait3A_347, %dma_wait3A_348, %dma_wait3A_349] : memref<4096x50x128xi32, #tpu.memory_space<hbm>> -> memref<2x50x128xi32, #tpu.memory_space<hbm>>
      tpu.wait_dma2 semaphore(%arg16 : memref<!tpu.dma_semaphore, #tpu.memory_space<semaphore_mem>>) src(%arg8 : memref<2x50x128xi32, #tpu.memory_space<vmem>>) dst(%dma_wait3A_350 : memref<2x50x128xi32, #tpu.memory_space<hbm>>)
      %mul3A_351 = arith.constant 4 : i32
      %mul3A_352 = arith.muli %scan3A_212, %mul3A_351 : i32
      %add3A_353 = arith.constant 1 : i32
      %add3A_354 = arith.addi %mul3A_352, %add3A_353 : i32
      %add3A_355 = arith.constant 4 : i32
      %add3A_356 = arith.addi %add3A_354, %add3A_355 : i32
      %mul3A_357 = arith.constant 2 : i32
      %mul3A_358 = arith.muli %add3A_356, %mul3A_357 : i32
      %add3A_359 = arith.constant 0 : i32
      %add3A_360 = arith.addi %mul3A_358, %add3A_359 : i32
      %dma_start3A_361 = arith.constant 0 : i32
      %dma_start3A_362 = arith.constant 0 : i32
      %dma_start3A_363 = arith.constant 0 : i32
      %dma_start3A_364 = tpu.memref_slice %arg8[%dma_start3A_361, %dma_start3A_362, %dma_start3A_363] : memref<2x50x128xi32, #tpu.memory_space<vmem>> -> memref<1x50x128xi32, #tpu.memory_space<vmem>>
      %dma_start3A_365 = tpu.memref_squeeze %dma_start3A_364 : memref<1x50x128xi32, #tpu.memory_space<vmem>> -> memref<50x128xi32, #tpu.memory_space<vmem>>
      %dma_start3A_366 = arith.constant 0 : i32
      %dma_start3A_367 = tpu.memref_slice %arg6[%add3A_360, %dma_start3A_366] : memref<128x50xi32, #tpu.memory_space<vmem>> -> memref<1x50xi32, #tpu.memory_space<vmem>>
      %dma_start3A_368 = tpu.memref_squeeze %dma_start3A_367 : memref<1x50xi32, #tpu.memory_space<vmem>> -> memref<50xi32, #tpu.memory_space<vmem>>
      %dma_start3A_369 = tpu.memref_bitcast %arg2 : memref<100000x128xbf16, #tpu.memory_space<hbm>> -> memref<50000x128xi32, #tpu.memory_space<hbm>>
      %dma_start3A_370 = arith.constant 0 : i32
      %dma_start3A_371 = arith.constant 0 : i32
      %dma_start3A_372 = tpu.memref_slice %dma_start3A_369[%dma_start3A_370, %dma_start3A_371] : memref<50000x128xi32, #tpu.memory_space<hbm>> -> memref<50000x128xi32, #tpu.memory_space<hbm>>
      tpu.enqueue_indirect_dma source(%dma_start3A_372 : memref<50000x128xi32, #tpu.memory_space<hbm>>) target(%dma_start3A_365 : memref<50x128xi32, #tpu.memory_space<vmem>>) offsets(%dma_start3A_368 : memref<50xi32, #tpu.memory_space<vmem>>) semaphore(%arg12 : memref<!tpu.dma_semaphore, #tpu.memory_space<semaphore_mem>>)
      %mul3A_373 = arith.constant 2 : i32
      %mul3A_374 = arith.muli %add3A_356, %mul3A_373 : i32
      %add3A_375 = arith.constant 1 : i32
      %add3A_376 = arith.addi %mul3A_374, %add3A_375 : i32
      %dma_start3A_377 = arith.constant 1 : i32
      %dma_start3A_378 = arith.constant 0 : i32
      %dma_start3A_379 = arith.constant 0 : i32
      %dma_start3A_380 = tpu.memref_slice %arg8[%dma_start3A_377, %dma_start3A_378, %dma_start3A_379] : memref<2x50x128xi32, #tpu.memory_space<vmem>> -> memref<1x50x128xi32, #tpu.memory_space<vmem>>
      %dma_start3A_381 = tpu.memref_squeeze %dma_start3A_380 : memref<1x50x128xi32, #tpu.memory_space<vmem>> -> memref<50x128xi32, #tpu.memory_space<vmem>>
      %dma_start3A_382 = arith.constant 0 : i32
      %dma_start3A_383 = tpu.memref_slice %arg6[%add3A_376, %dma_start3A_382] : memref<128x50xi32, #tpu.memory_space<vmem>> -> memref<1x50xi32, #tpu.memory_space<vmem>>
      %dma_start3A_384 = tpu.memref_squeeze %dma_start3A_383 : memref<1x50xi32, #tpu.memory_space<vmem>> -> memref<50xi32, #tpu.memory_space<vmem>>
      %dma_start3A_385 = tpu.memref_bitcast %arg2 : memref<100000x128xbf16, #tpu.memory_space<hbm>> -> memref<50000x128xi32, #tpu.memory_space<hbm>>
      %dma_start3A_386 = arith.constant 0 : i32
      %dma_start3A_387 = arith.constant 0 : i32
      %dma_start3A_388 = tpu.memref_slice %dma_start3A_385[%dma_start3A_386, %dma_start3A_387] : memref<50000x128xi32, #tpu.memory_space<hbm>> -> memref<50000x128xi32, #tpu.memory_space<hbm>>
      tpu.enqueue_indirect_dma source(%dma_start3A_388 : memref<50000x128xi32, #tpu.memory_space<hbm>>) target(%dma_start3A_381 : memref<50x128xi32, #tpu.memory_space<vmem>>) offsets(%dma_start3A_384 : memref<50xi32, #tpu.memory_space<vmem>>) semaphore(%arg12 : memref<!tpu.dma_semaphore, #tpu.memory_space<semaphore_mem>>)
      %dma_wait3A_389 = arith.constant 0 : i32
      %dma_wait3A_390 = arith.constant 0 : i32
      %dma_wait3A_391 = arith.constant 0 : i32
      %dma_wait3A_392 = tpu.memref_slice %arg4[%dma_wait3A_389, %dma_wait3A_390, %dma_wait3A_391] : memref<4096x50x128xi32, #tpu.memory_space<hbm>> -> memref<2x50x128xi32, #tpu.memory_space<hbm>>
      %dma_wait3A_393 = arith.constant 0 : i32
      %dma_wait3A_394 = arith.constant 0 : i32
      %dma_wait3A_395 = arith.constant 0 : i32
      %dma_wait3A_396 = tpu.memref_slice %arg4[%dma_wait3A_393, %dma_wait3A_394, %dma_wait3A_395] : memref<4096x50x128xi32, #tpu.memory_space<hbm>> -> memref<2x50x128xi32, #tpu.memory_space<hbm>>
      tpu.wait_dma2 semaphore(%arg17 : memref<!tpu.dma_semaphore, #tpu.memory_space<semaphore_mem>>) src(%arg9 : memref<2x50x128xi32, #tpu.memory_space<vmem>>) dst(%dma_wait3A_396 : memref<2x50x128xi32, #tpu.memory_space<hbm>>)
      %mul3A_397 = arith.constant 4 : i32
      %mul3A_398 = arith.muli %scan3A_212, %mul3A_397 : i32
      %add3A_399 = arith.constant 2 : i32
      %add3A_400 = arith.addi %mul3A_398, %add3A_399 : i32
      %add3A_401 = arith.constant 4 : i32
      %add3A_402 = arith.addi %add3A_400, %add3A_401 : i32
      %mul3A_403 = arith.constant 2 : i32
      %mul3A_404 = arith.muli %add3A_402, %mul3A_403 : i32
      %add3A_405 = arith.constant 0 : i32
      %add3A_406 = arith.addi %mul3A_404, %add3A_405 : i32
      %dma_start3A_407 = arith.constant 0 : i32
      %dma_start3A_408 = arith.constant 0 : i32
      %dma_start3A_409 = arith.constant 0 : i32
      %dma_start3A_410 = tpu.memref_slice %arg9[%dma_start3A_407, %dma_start3A_408, %dma_start3A_409] : memref<2x50x128xi32, #tpu.memory_space<vmem>> -> memref<1x50x128xi32, #tpu.memory_space<vmem>>
      %dma_start3A_411 = tpu.memref_squeeze %dma_start3A_410 : memref<1x50x128xi32, #tpu.memory_space<vmem>> -> memref<50x128xi32, #tpu.memory_space<vmem>>
      %dma_start3A_412 = arith.constant 0 : i32
      %dma_start3A_413 = tpu.memref_slice %arg6[%add3A_406, %dma_start3A_412] : memref<128x50xi32, #tpu.memory_space<vmem>> -> memref<1x50xi32, #tpu.memory_space<vmem>>
      %dma_start3A_414 = tpu.memref_squeeze %dma_start3A_413 : memref<1x50xi32, #tpu.memory_space<vmem>> -> memref<50xi32, #tpu.memory_space<vmem>>
      %dma_start3A_415 = tpu.memref_bitcast %arg2 : memref<100000x128xbf16, #tpu.memory_space<hbm>> -> memref<50000x128xi32, #tpu.memory_space<hbm>>
      %dma_start3A_416 = arith.constant 0 : i32
      %dma_start3A_417 = arith.constant 0 : i32
      %dma_start3A_418 = tpu.memref_slice %dma_start3A_415[%dma_start3A_416, %dma_start3A_417] : memref<50000x128xi32, #tpu.memory_space<hbm>> -> memref<50000x128xi32, #tpu.memory_space<hbm>>
      tpu.enqueue_indirect_dma source(%dma_start3A_418 : memref<50000x128xi32, #tpu.memory_space<hbm>>) target(%dma_start3A_411 : memref<50x128xi32, #tpu.memory_space<vmem>>) offsets(%dma_start3A_414 : memref<50xi32, #tpu.memory_space<vmem>>) semaphore(%arg13 : memref<!tpu.dma_semaphore, #tpu.memory_space<semaphore_mem>>)
      %mul3A_419 = arith.constant 2 : i32
      %mul3A_420 = arith.muli %add3A_402, %mul3A_419 : i32
      %add3A_421 = arith.constant 1 : i32
      %add3A_422 = arith.addi %mul3A_420, %add3A_421 : i32
      %dma_start3A_423 = arith.constant 1 : i32
      %dma_start3A_424 = arith.constant 0 : i32
      %dma_start3A_425 = arith.constant 0 : i32
      %dma_start3A_426 = tpu.memref_slice %arg9[%dma_start3A_423, %dma_start3A_424, %dma_start3A_425] : memref<2x50x128xi32, #tpu.memory_space<vmem>> -> memref<1x50x128xi32, #tpu.memory_space<vmem>>
      %dma_start3A_427 = tpu.memref_squeeze %dma_start3A_426 : memref<1x50x128xi32, #tpu.memory_space<vmem>> -> memref<50x128xi32, #tpu.memory_space<vmem>>
      %dma_start3A_428 = arith.constant 0 : i32
      %dma_start3A_429 = tpu.memref_slice %arg6[%add3A_422, %dma_start3A_428] : memref<128x50xi32, #tpu.memory_space<vmem>> -> memref<1x50xi32, #tpu.memory_space<vmem>>
      %dma_start3A_430 = tpu.memref_squeeze %dma_start3A_429 : memref<1x50xi32, #tpu.memory_space<vmem>> -> memref<50xi32, #tpu.memory_space<vmem>>
      %dma_start3A_431 = tpu.memref_bitcast %arg2 : memref<100000x128xbf16, #tpu.memory_space<hbm>> -> memref<50000x128xi32, #tpu.memory_space<hbm>>
      %dma_start3A_432 = arith.constant 0 : i32
      %dma_start3A_433 = arith.constant 0 : i32
      %dma_start3A_434 = tpu.memref_slice %dma_start3A_431[%dma_start3A_432, %dma_start3A_433] : memref<50000x128xi32, #tpu.memory_space<hbm>> -> memref<50000x128xi32, #tpu.memory_space<hbm>>
      tpu.enqueue_indirect_dma source(%dma_start3A_434 : memref<50000x128xi32, #tpu.memory_space<hbm>>) target(%dma_start3A_427 : memref<50x128xi32, #tpu.memory_space<vmem>>) offsets(%dma_start3A_430 : memref<50xi32, #tpu.memory_space<vmem>>) semaphore(%arg13 : memref<!tpu.dma_semaphore, #tpu.memory_space<semaphore_mem>>)
      %dma_wait3A_435 = arith.constant 0 : i32
      %dma_wait3A_436 = arith.constant 0 : i32
      %dma_wait3A_437 = arith.constant 0 : i32
      %dma_wait3A_438 = tpu.memref_slice %arg4[%dma_wait3A_435, %dma_wait3A_436, %dma_wait3A_437] : memref<4096x50x128xi32, #tpu.memory_space<hbm>> -> memref<2x50x128xi32, #tpu.memory_space<hbm>>
      %dma_wait3A_439 = arith.constant 0 : i32
      %dma_wait3A_440 = arith.constant 0 : i32
      %dma_wait3A_441 = arith.constant 0 : i32
      %dma_wait3A_442 = tpu.memref_slice %arg4[%dma_wait3A_439, %dma_wait3A_440, %dma_wait3A_441] : memref<4096x50x128xi32, #tpu.memory_space<hbm>> -> memref<2x50x128xi32, #tpu.memory_space<hbm>>
      tpu.wait_dma2 semaphore(%arg18 : memref<!tpu.dma_semaphore, #tpu.memory_space<semaphore_mem>>) src(%arg10 : memref<2x50x128xi32, #tpu.memory_space<vmem>>) dst(%dma_wait3A_442 : memref<2x50x128xi32, #tpu.memory_space<hbm>>)
      %mul3A_443 = arith.constant 4 : i32
      %mul3A_444 = arith.muli %scan3A_212, %mul3A_443 : i32
      %add3A_445 = arith.constant 3 : i32
      %add3A_446 = arith.addi %mul3A_444, %add3A_445 : i32
      %add3A_447 = arith.constant 4 : i32
      %add3A_448 = arith.addi %add3A_446, %add3A_447 : i32
      %mul3A_449 = arith.constant 2 : i32
      %mul3A_450 = arith.muli %add3A_448, %mul3A_449 : i32
      %add3A_451 = arith.constant 0 : i32
      %add3A_452 = arith.addi %mul3A_450, %add3A_451 : i32
      %dma_start3A_453 = arith.constant 0 : i32
      %dma_start3A_454 = arith.constant 0 : i32
      %dma_start3A_455 = arith.constant 0 : i32
      %dma_start3A_456 = tpu.memref_slice %arg10[%dma_start3A_453, %dma_start3A_454, %dma_start3A_455] : memref<2x50x128xi32, #tpu.memory_space<vmem>> -> memref<1x50x128xi32, #tpu.memory_space<vmem>>
      %dma_start3A_457 = tpu.memref_squeeze %dma_start3A_456 : memref<1x50x128xi32, #tpu.memory_space<vmem>> -> memref<50x128xi32, #tpu.memory_space<vmem>>
      %dma_start3A_458 = arith.constant 0 : i32
      %dma_start3A_459 = tpu.memref_slice %arg6[%add3A_452, %dma_start3A_458] : memref<128x50xi32, #tpu.memory_space<vmem>> -> memref<1x50xi32, #tpu.memory_space<vmem>>
      %dma_start3A_460 = tpu.memref_squeeze %dma_start3A_459 : memref<1x50xi32, #tpu.memory_space<vmem>> -> memref<50xi32, #tpu.memory_space<vmem>>
      %dma_start3A_461 = tpu.memref_bitcast %arg2 : memref<100000x128xbf16, #tpu.memory_space<hbm>> -> memref<50000x128xi32, #tpu.memory_space<hbm>>
      %dma_start3A_462 = arith.constant 0 : i32
      %dma_start3A_463 = arith.constant 0 : i32
      %dma_start3A_464 = tpu.memref_slice %dma_start3A_461[%dma_start3A_462, %dma_start3A_463] : memref<50000x128xi32, #tpu.memory_space<hbm>> -> memref<50000x128xi32, #tpu.memory_space<hbm>>
      tpu.enqueue_indirect_dma source(%dma_start3A_464 : memref<50000x128xi32, #tpu.memory_space<hbm>>) target(%dma_start3A_457 : memref<50x128xi32, #tpu.memory_space<vmem>>) offsets(%dma_start3A_460 : memref<50xi32, #tpu.memory_space<vmem>>) semaphore(%arg14 : memref<!tpu.dma_semaphore, #tpu.memory_space<semaphore_mem>>)
      %mul3A_465 = arith.constant 2 : i32
      %mul3A_466 = arith.muli %add3A_448, %mul3A_465 : i32
      %add3A_467 = arith.constant 1 : i32
      %add3A_468 = arith.addi %mul3A_466, %add3A_467 : i32
      %dma_start3A_469 = arith.constant 1 : i32
      %dma_start3A_470 = arith.constant 0 : i32
      %dma_start3A_471 = arith.constant 0 : i32
      %dma_start3A_472 = tpu.memref_slice %arg10[%dma_start3A_469, %dma_start3A_470, %dma_start3A_471] : memref<2x50x128xi32, #tpu.memory_space<vmem>> -> memref<1x50x128xi32, #tpu.memory_space<vmem>>
      %dma_start3A_473 = tpu.memref_squeeze %dma_start3A_472 : memref<1x50x128xi32, #tpu.memory_space<vmem>> -> memref<50x128xi32, #tpu.memory_space<vmem>>
      %dma_start3A_474 = arith.constant 0 : i32
      %dma_start3A_475 = tpu.memref_slice %arg6[%add3A_468, %dma_start3A_474] : memref<128x50xi32, #tpu.memory_space<vmem>> -> memref<1x50xi32, #tpu.memory_space<vmem>>
      %dma_start3A_476 = tpu.memref_squeeze %dma_start3A_475 : memref<1x50xi32, #tpu.memory_space<vmem>> -> memref<50xi32, #tpu.memory_space<vmem>>
      %dma_start3A_477 = tpu.memref_bitcast %arg2 : memref<100000x128xbf16, #tpu.memory_space<hbm>> -> memref<50000x128xi32, #tpu.memory_space<hbm>>
      %dma_start3A_478 = arith.constant 0 : i32
      %dma_start3A_479 = arith.constant 0 : i32
      %dma_start3A_480 = tpu.memref_slice %dma_start3A_477[%dma_start3A_478, %dma_start3A_479] : memref<50000x128xi32, #tpu.memory_space<hbm>> -> memref<50000x128xi32, #tpu.memory_space<hbm>>
      tpu.enqueue_indirect_dma source(%dma_start3A_480 : memref<50000x128xi32, #tpu.memory_space<hbm>>) target(%dma_start3A_473 : memref<50x128xi32, #tpu.memory_space<vmem>>) offsets(%dma_start3A_476 : memref<50xi32, #tpu.memory_space<vmem>>) semaphore(%arg14 : memref<!tpu.dma_semaphore, #tpu.memory_space<semaphore_mem>>)
    }
    %scan3A_116 = arith.constant 15 : i32
    %dma_wait3A = arith.constant 0 : i32
    %dma_wait3A_117 = arith.constant 0 : i32
    %dma_wait3A_118 = arith.constant 0 : i32
    %dma_wait3A_119 = tpu.memref_slice %arg4[%dma_wait3A, %dma_wait3A_117, %dma_wait3A_118] : memref<4096x50x128xi32, #tpu.memory_space<hbm>> -> memref<2x50x128xi32, #tpu.memory_space<hbm>>
    %dma_wait3A_120 = arith.constant 0 : i32
    %dma_wait3A_121 = arith.constant 0 : i32
    %dma_wait3A_122 = arith.constant 0 : i32
    %dma_wait3A_123 = tpu.memref_slice %arg4[%dma_wait3A_120, %dma_wait3A_121, %dma_wait3A_122] : memref<4096x50x128xi32, #tpu.memory_space<hbm>> -> memref<2x50x128xi32, #tpu.memory_space<hbm>>
    tpu.wait_dma2 semaphore(%arg11 : memref<!tpu.dma_semaphore, #tpu.memory_space<semaphore_mem>>) src(%dma_wait3A_123 : memref<2x50x128xi32, #tpu.memory_space<hbm>>) dst(%arg7 : memref<2x50x128xi32, #tpu.memory_space<vmem>>)
    %add3A_124 = arith.constant 120 : i32
    %add3A_125 = arith.addi %mul3A_2, %add3A_124 : i32
    %dma_start3A_126 = arith.constant 0 : i32
    %dma_start3A_127 = arith.constant 0 : i32
    %dma_start3A_128 = tpu.memref_slice %arg4[%add3A_125, %dma_start3A_126, %dma_start3A_127] : memref<4096x50x128xi32, #tpu.memory_space<hbm>> -> memref<2x50x128xi32, #tpu.memory_space<hbm>>
    %dma_start3A_129 = arith.constant 0 : i32
    %dma_start3A_130 = arith.constant 0 : i32
    %dma_start3A_131 = tpu.memref_slice %arg4[%add3A_125, %dma_start3A_129, %dma_start3A_130] : memref<4096x50x128xi32, #tpu.memory_space<hbm>> -> memref<2x50x128xi32, #tpu.memory_space<hbm>>
    tpu.enqueue_dma source(%arg7 : memref<2x50x128xi32, #tpu.memory_space<vmem>>) target(%dma_start3A_131 : memref<2x50x128xi32, #tpu.memory_space<hbm>>) target_semaphore(%arg15 : memref<!tpu.dma_semaphore, #tpu.memory_space<semaphore_mem>>)
    %dma_wait3A_132 = arith.constant 0 : i32
    %dma_wait3A_133 = arith.constant 0 : i32
    %dma_wait3A_134 = arith.constant 0 : i32
    %dma_wait3A_135 = tpu.memref_slice %arg4[%dma_wait3A_132, %dma_wait3A_133, %dma_wait3A_134] : memref<4096x50x128xi32, #tpu.memory_space<hbm>> -> memref<2x50x128xi32, #tpu.memory_space<hbm>>
    %dma_wait3A_136 = arith.constant 0 : i32
    %dma_wait3A_137 = arith.constant 0 : i32
    %dma_wait3A_138 = arith.constant 0 : i32
    %dma_wait3A_139 = tpu.memref_slice %arg4[%dma_wait3A_136, %dma_wait3A_137, %dma_wait3A_138] : memref<4096x50x128xi32, #tpu.memory_space<hbm>> -> memref<2x50x128xi32, #tpu.memory_space<hbm>>
    tpu.wait_dma2 semaphore(%arg12 : memref<!tpu.dma_semaphore, #tpu.memory_space<semaphore_mem>>) src(%dma_wait3A_139 : memref<2x50x128xi32, #tpu.memory_space<hbm>>) dst(%arg8 : memref<2x50x128xi32, #tpu.memory_space<vmem>>)
    %add3A_140 = arith.constant 122 : i32
    %add3A_141 = arith.addi %mul3A_2, %add3A_140 : i32
    %dma_start3A_142 = arith.constant 0 : i32
    %dma_start3A_143 = arith.constant 0 : i32
    %dma_start3A_144 = tpu.memref_slice %arg4[%add3A_141, %dma_start3A_142, %dma_start3A_143] : memref<4096x50x128xi32, #tpu.memory_space<hbm>> -> memref<2x50x128xi32, #tpu.memory_space<hbm>>
    %dma_start3A_145 = arith.constant 0 : i32
    %dma_start3A_146 = arith.constant 0 : i32
    %dma_start3A_147 = tpu.memref_slice %arg4[%add3A_141, %dma_start3A_145, %dma_start3A_146] : memref<4096x50x128xi32, #tpu.memory_space<hbm>> -> memref<2x50x128xi32, #tpu.memory_space<hbm>>
    tpu.enqueue_dma source(%arg8 : memref<2x50x128xi32, #tpu.memory_space<vmem>>) target(%dma_start3A_147 : memref<2x50x128xi32, #tpu.memory_space<hbm>>) target_semaphore(%arg16 : memref<!tpu.dma_semaphore, #tpu.memory_space<semaphore_mem>>)
    %dma_wait3A_148 = arith.constant 0 : i32
    %dma_wait3A_149 = arith.constant 0 : i32
    %dma_wait3A_150 = arith.constant 0 : i32
    %dma_wait3A_151 = tpu.memref_slice %arg4[%dma_wait3A_148, %dma_wait3A_149, %dma_wait3A_150] : memref<4096x50x128xi32, #tpu.memory_space<hbm>> -> memref<2x50x128xi32, #tpu.memory_space<hbm>>
    %dma_wait3A_152 = arith.constant 0 : i32
    %dma_wait3A_153 = arith.constant 0 : i32
    %dma_wait3A_154 = arith.constant 0 : i32
    %dma_wait3A_155 = tpu.memref_slice %arg4[%dma_wait3A_152, %dma_wait3A_153, %dma_wait3A_154] : memref<4096x50x128xi32, #tpu.memory_space<hbm>> -> memref<2x50x128xi32, #tpu.memory_space<hbm>>
    tpu.wait_dma2 semaphore(%arg13 : memref<!tpu.dma_semaphore, #tpu.memory_space<semaphore_mem>>) src(%dma_wait3A_155 : memref<2x50x128xi32, #tpu.memory_space<hbm>>) dst(%arg9 : memref<2x50x128xi32, #tpu.memory_space<vmem>>)
    %add3A_156 = arith.constant 124 : i32
    %add3A_157 = arith.addi %mul3A_2, %add3A_156 : i32
    %dma_start3A_158 = arith.constant 0 : i32
    %dma_start3A_159 = arith.constant 0 : i32
    %dma_start3A_160 = tpu.memref_slice %arg4[%add3A_157, %dma_start3A_158, %dma_start3A_159] : memref<4096x50x128xi32, #tpu.memory_space<hbm>> -> memref<2x50x128xi32, #tpu.memory_space<hbm>>
    %dma_start3A_161 = arith.constant 0 : i32
    %dma_start3A_162 = arith.constant 0 : i32
    %dma_start3A_163 = tpu.memref_slice %arg4[%add3A_157, %dma_start3A_161, %dma_start3A_162] : memref<4096x50x128xi32, #tpu.memory_space<hbm>> -> memref<2x50x128xi32, #tpu.memory_space<hbm>>
    tpu.enqueue_dma source(%arg9 : memref<2x50x128xi32, #tpu.memory_space<vmem>>) target(%dma_start3A_163 : memref<2x50x128xi32, #tpu.memory_space<hbm>>) target_semaphore(%arg17 : memref<!tpu.dma_semaphore, #tpu.memory_space<semaphore_mem>>)
    %dma_wait3A_164 = arith.constant 0 : i32
    %dma_wait3A_165 = arith.constant 0 : i32
    %dma_wait3A_166 = arith.constant 0 : i32
    %dma_wait3A_167 = tpu.memref_slice %arg4[%dma_wait3A_164, %dma_wait3A_165, %dma_wait3A_166] : memref<4096x50x128xi32, #tpu.memory_space<hbm>> -> memref<2x50x128xi32, #tpu.memory_space<hbm>>
    %dma_wait3A_168 = arith.constant 0 : i32
    %dma_wait3A_169 = arith.constant 0 : i32
    %dma_wait3A_170 = arith.constant 0 : i32
    %dma_wait3A_171 = tpu.memref_slice %arg4[%dma_wait3A_168, %dma_wait3A_169, %dma_wait3A_170] : memref<4096x50x128xi32, #tpu.memory_space<hbm>> -> memref<2x50x128xi32, #tpu.memory_space<hbm>>
    tpu.wait_dma2 semaphore(%arg14 : memref<!tpu.dma_semaphore, #tpu.memory_space<semaphore_mem>>) src(%dma_wait3A_171 : memref<2x50x128xi32, #tpu.memory_space<hbm>>) dst(%arg10 : memref<2x50x128xi32, #tpu.memory_space<vmem>>)
    %add3A_172 = arith.constant 126 : i32
    %add3A_173 = arith.addi %mul3A_2, %add3A_172 : i32
    %dma_start3A_174 = arith.constant 0 : i32
    %dma_start3A_175 = arith.constant 0 : i32
    %dma_start3A_176 = tpu.memref_slice %arg4[%add3A_173, %dma_start3A_174, %dma_start3A_175] : memref<4096x50x128xi32, #tpu.memory_space<hbm>> -> memref<2x50x128xi32, #tpu.memory_space<hbm>>
    %dma_start3A_177 = arith.constant 0 : i32
    %dma_start3A_178 = arith.constant 0 : i32
    %dma_start3A_179 = tpu.memref_slice %arg4[%add3A_173, %dma_start3A_177, %dma_start3A_178] : memref<4096x50x128xi32, #tpu.memory_space<hbm>> -> memref<2x50x128xi32, #tpu.memory_space<hbm>>
    tpu.enqueue_dma source(%arg10 : memref<2x50x128xi32, #tpu.memory_space<vmem>>) target(%dma_start3A_179 : memref<2x50x128xi32, #tpu.memory_space<hbm>>) target_semaphore(%arg18 : memref<!tpu.dma_semaphore, #tpu.memory_space<semaphore_mem>>)
    %dma_wait3A_180 = arith.constant 0 : i32
    %dma_wait3A_181 = arith.constant 0 : i32
    %dma_wait3A_182 = arith.constant 0 : i32
    %dma_wait3A_183 = tpu.memref_slice %arg4[%dma_wait3A_180, %dma_wait3A_181, %dma_wait3A_182] : memref<4096x50x128xi32, #tpu.memory_space<hbm>> -> memref<2x50x128xi32, #tpu.memory_space<hbm>>
    %dma_wait3A_184 = arith.constant 0 : i32
    %dma_wait3A_185 = arith.constant 0 : i32
    %dma_wait3A_186 = arith.constant 0 : i32
    %dma_wait3A_187 = tpu.memref_slice %arg4[%dma_wait3A_184, %dma_wait3A_185, %dma_wait3A_186] : memref<4096x50x128xi32, #tpu.memory_space<hbm>> -> memref<2x50x128xi32, #tpu.memory_space<hbm>>
    tpu.wait_dma2 semaphore(%arg15 : memref<!tpu.dma_semaphore, #tpu.memory_space<semaphore_mem>>) src(%arg7 : memref<2x50x128xi32, #tpu.memory_space<vmem>>) dst(%dma_wait3A_187 : memref<2x50x128xi32, #tpu.memory_space<hbm>>)
    %dma_wait3A_188 = arith.constant 0 : i32
    %dma_wait3A_189 = arith.constant 0 : i32
    %dma_wait3A_190 = arith.constant 0 : i32
    %dma_wait3A_191 = tpu.memref_slice %arg4[%dma_wait3A_188, %dma_wait3A_189, %dma_wait3A_190] : memref<4096x50x128xi32, #tpu.memory_space<hbm>> -> memref<2x50x128xi32, #tpu.memory_space<hbm>>
    %dma_wait3A_192 = arith.constant 0 : i32
    %dma_wait3A_193 = arith.constant 0 : i32
    %dma_wait3A_194 = arith.constant 0 : i32
    %dma_wait3A_195 = tpu.memref_slice %arg4[%dma_wait3A_192, %dma_wait3A_193, %dma_wait3A_194] : memref<4096x50x128xi32, #tpu.memory_space<hbm>> -> memref<2x50x128xi32, #tpu.memory_space<hbm>>
    tpu.wait_dma2 semaphore(%arg16 : memref<!tpu.dma_semaphore, #tpu.memory_space<semaphore_mem>>) src(%arg8 : memref<2x50x128xi32, #tpu.memory_space<vmem>>) dst(%dma_wait3A_195 : memref<2x50x128xi32, #tpu.memory_space<hbm>>)
    %dma_wait3A_196 = arith.constant 0 : i32
    %dma_wait3A_197 = arith.constant 0 : i32
    %dma_wait3A_198 = arith.constant 0 : i32
    %dma_wait3A_199 = tpu.memref_slice %arg4[%dma_wait3A_196, %dma_wait3A_197, %dma_wait3A_198] : memref<4096x50x128xi32, #tpu.memory_space<hbm>> -> memref<2x50x128xi32, #tpu.memory_space<hbm>>
    %dma_wait3A_200 = arith.constant 0 : i32
    %dma_wait3A_201 = arith.constant 0 : i32
    %dma_wait3A_202 = arith.constant 0 : i32
    %dma_wait3A_203 = tpu.memref_slice %arg4[%dma_wait3A_200, %dma_wait3A_201, %dma_wait3A_202] : memref<4096x50x128xi32, #tpu.memory_space<hbm>> -> memref<2x50x128xi32, #tpu.memory_space<hbm>>
    tpu.wait_dma2 semaphore(%arg17 : memref<!tpu.dma_semaphore, #tpu.memory_space<semaphore_mem>>) src(%arg9 : memref<2x50x128xi32, #tpu.memory_space<vmem>>) dst(%dma_wait3A_203 : memref<2x50x128xi32, #tpu.memory_space<hbm>>)
    %dma_wait3A_204 = arith.constant 0 : i32
    %dma_wait3A_205 = arith.constant 0 : i32
    %dma_wait3A_206 = arith.constant 0 : i32
    %dma_wait3A_207 = tpu.memref_slice %arg4[%dma_wait3A_204, %dma_wait3A_205, %dma_wait3A_206] : memref<4096x50x128xi32, #tpu.memory_space<hbm>> -> memref<2x50x128xi32, #tpu.memory_space<hbm>>
    %dma_wait3A_208 = arith.constant 0 : i32
    %dma_wait3A_209 = arith.constant 0 : i32
    %dma_wait3A_210 = arith.constant 0 : i32
    %dma_wait3A_211 = tpu.memref_slice %arg4[%dma_wait3A_208, %dma_wait3A_209, %dma_wait3A_210] : memref<4096x50x128xi32, #tpu.memory_space<hbm>> -> memref<2x50x128xi32, #tpu.memory_space<hbm>>
    tpu.wait_dma2 semaphore(%arg18 : memref<!tpu.dma_semaphore, #tpu.memory_space<semaphore_mem>>) src(%arg10 : memref<2x50x128xi32, #tpu.memory_space<vmem>>) dst(%dma_wait3A_211 : memref<2x50x128xi32, #tpu.memory_space<hbm>>)
    return
  }
}

module attributes {stable_mosaic.version = 14 : i64} {
  func.func @_extract_body(%arg0: i32, %arg1: memref<256x50xi32, #tpu.memory_space<vmem>>, %arg2: memref<256x50x128xi32, #tpu.memory_space<vmem>>, %arg3: memref<256x50x128xbf16, #tpu.memory_space<vmem>>) attributes {dimension_semantics = [#tpu.dimension_semantics<arbitrary>], iteration_bounds = array<i64: 16>, scalar_prefetch = 0 : i64, scratch_operands = 0 : i64, tpu.core_type = #tpu.core_type<tc>, window_params = [{transform_indices = @transform_0, window_bounds = array<i64: 256, 50>}, {transform_indices = @transform_1, window_bounds = array<i64: 256, 50, 128>}, {transform_indices = @transform_2, window_bounds = array<i64: 256, 50, 128>}]} {
    %get3A = arith.constant 0 : index
    %get3A_0 = arith.constant 0 : index
    %get3A_1 = vector.load %arg1[%get3A, %get3A_0] : memref<256x50xi32, #tpu.memory_space<vmem>>, vector<256x50xi32>
    %and3A = arith.constant 1 : i32
    %and3A_2 = vector.broadcast %and3A : i32 to vector<256x50xi32>
    %and3A_3 = arith.andi %get3A_1, %and3A_2 : vector<256x50xi32>
    %shift_left3A = arith.constant 4 : i32
    %shift_left3A_4 = vector.broadcast %shift_left3A : i32 to vector<256x50xi32>
    %shift_left3A_5 = arith.shli %and3A_3, %shift_left3A_4 : vector<256x50xi32>
    %get3A_6 = arith.constant 0 : index
    %get3A_7 = arith.constant 0 : index
    %get3A_8 = arith.constant 0 : index
    %get3A_9 = vector.load %arg2[%get3A_6, %get3A_7, %get3A_8] : memref<256x50x128xi32, #tpu.memory_space<vmem>>, vector<256x50x128xi32>
    %broadcast_in_dim3A = vector.shape_cast %shift_left3A_5 : vector<256x50xi32> to vector<256x50x1xi32>
    %shift_right_arithmetic3A = vector.broadcast %broadcast_in_dim3A : vector<256x50x1xi32> to vector<256x50x128xi32>
    %shift_right_arithmetic3A_10 = arith.shrsi %get3A_9, %shift_right_arithmetic3A : vector<256x50x128xi32>
    %and3A_11 = arith.constant 65535 : i32
    %and3A_12 = vector.broadcast %and3A_11 : i32 to vector<256x50x128xi32>
    %and3A_13 = arith.andi %shift_right_arithmetic3A_10, %and3A_12 : vector<256x50x128xi32>
    %convert_element_type3A = arith.trunci %and3A_13 : vector<256x50x128xi32> to vector<256x50x128xi16>
    %bitcast_convert_type3A = tpu.bitcast %convert_element_type3A : vector<256x50x128xi16> -> vector<256x50x128xbf16>
    %swap3A = arith.constant 0 : index
    %swap3A_14 = arith.constant 0 : index
    %swap3A_15 = arith.constant 0 : index
    %swap3A_16 = vector.load %arg3[%swap3A, %swap3A_14, %swap3A_15] : memref<256x50x128xbf16, #tpu.memory_space<vmem>>, vector<256x50x128xbf16>
    tpu.vector_store %arg3[%swap3A, %swap3A_14, %swap3A_15], %bitcast_convert_type3A {strides = array<i32>} : memref<256x50x128xbf16, #tpu.memory_space<vmem>>, vector<256x50x128xbf16>,
    return
  }
  func.func @transform_0(%arg0: i32) -> (i32, i32) {
    %c0_i32 = arith.constant 0 : i32
    %c0_i32_0 = arith.constant 0 : i32
    return %arg0, %c0_i32 : i32, i32
  }
  func.func @transform_1(%arg0: i32) -> (i32, i32, i32) {
    %c0_i32 = arith.constant 0 : i32
    %c0_i32_0 = arith.constant 0 : i32
    %c0_i32_1 = arith.constant 0 : i32
    return %arg0, %c0_i32, %c0_i32_0 : i32, i32, i32
  }
  func.func @transform_2(%arg0: i32) -> (i32, i32, i32) {
    %c0_i32 = arith.constant 0 : i32
    %c0_i32_0 = arith.constant 0 : i32
    %c0_i32_1 = arith.constant 0 : i32
    return %arg0, %c0_i32, %c0_i32_0 : i32, i32, i32
  }
}

</mosaic_0001>

<sc_bundles>
// kernel: kernel.4.cloned.1.call-start
scs
__scs_entry_jumppad:
0x0: {  	(pc) =	sbr.rel $0x88, $3  }
0x1: {  	(tag) =	ssettag $0x0;
	lr =	simm.s32 $0x1  }
0x2: {  	[smem:$0x3F9F] =	sst lr;
	_ =	strace $0xD0000000  }
0x3: {  	_ = 	snop  }
0x4: {  	_ = 	snop  }
0x5: {  	_ = 	snop  }
0x6: {  	_ = 	snop  }
0x7: {  	_ = 	snop  }
__scs_overlays_trampoline_lowered:
0x8: {  	[smem:$0x3FAE] =	sst s0  }
0x9: {  	[smem:$0x3FAF] =	sst s1  }
0xa: {  	[smem:$0x3FB0] =	sst s2  }
0xb: {  	[smem:$0x3FB1] =	sst s3  }
0xc: {  	[smem:$0x3FB2] =	sst s4  }
0xd: {  	[smem:$0x3FB3] =	sst s5  }
0xe: {  	[smem:$0x3FB4] =	sst s6  }
0xf: {  	[smem:$0x3FB5] =	sst s7  }
0x10: {  	[smem:$0x3FB6] =	sst s8  }
0x11: {  	[smem:$0x3FB7] =	sst s9;
	s0 =	simm.s32 @!p0 $0x0  }
0x12: {  	s1 =	sld [smem:$0x3F9D];
	s0 =	simm.s32 @p0 $0x1  }
0x13: {  	[smem:$0x3FB8] =	sst s0;
	s0 =	simm.s32 @!p1 $0x0  }
0x14: {  	s2 =	sld [smem:$0x3F9C];
	s0 =	simm.s32 @p1 $0x1  }
0x15: {  	[smem:$0x3FB9] =	sst s0;
	s0 =	simm.s32 @!p2 $0x0  }
0x16: {  	s3 =	sld [smem:$0x3FDB];
	s0 =	simm.s32 @p2 $0x1  }
0x17: {  	s4 =	simm.s32 $0x1BF5;
	[smem:$0x3FBB] =	sst s0  }
0x18: {  	s0 =	sld [smem:$0x3F9E];
	_ =	swait.ge [sflag:s4], $0x0  }
0x19: {  	s7 =	sld [smem:$0x3F9F]  }
0x1a: {  	s8 =	sadd.s32 $0xFFFFE003, lr  }
0x1b: {  	s9 =	sadd.s32 $0xFFFFFEF7, lr;
	s5 =	simm.s32 $0xFFFFFFFF;
	p2 =	slt.u32 s8, $0xFFFFF086  }
0x1c: {  	p1 =	slt.u32 s9, $0xF7A;
	s5 =	simm.s32 @!p2 $0x0  }
0x1d: {  	s5 =	simm.s32 @p1 $0x1;
	p0 =	seq.s32 s7, s2  }
0x1e: {  	s7 =	smul.u32 @!p0 $0xF7A, s2;
	p2 =	seq.s32 @!p0 s5, $0x0  }
0x1f: {  	s9 =	smul.u32 $0xF7A, s1;
	s8 =	simm.s32 @!p0 $0x1BF5;
	p2 =	por !p2, p0  }
0x20: {  	[sflag:s8] =	ssyncset.s32 @!p0 $0xFFFFF086;
	s6 =	sadd.s32 @!p0 s3, s7;
	s7 =	simm.s32 @!p0 $0x108  }
0x21: {  	s3 =	sadd.s32 s3, s9;
	s6 =	sadd.s32 @!p0 $0x88, s6;
	s7 =	simm.s32 @p2 $0x1082  }
0x22: {  	[simem:s7], [sflag:s8] =	dma.local @!p0 [hbm:s6], $0xF7A  }
0x23: {  	s9 =	sor.u32 $0xD0000000, s2;
	s6 =	simm.s32 $0x108;
	_ =	swait.ge @!p0 [sflag:s8], $0x0  }
0x24: {  	s3 =	sadd.s32 $0x88, s3;
	s6 =	simm.s32 @!p1 $0x1082;
	[sflag:s4] =	ssyncset.s32 $0xFFFFF086  }
0x25: {  	[simem:s6], [sflag:s4] =	dma.local [hbm:s3], $0xF7A  }
0x26: {  	[smem:$0x3F9F] =	sst s1;
	(tag) =	ssettag s2;
	_ =	strace s9  }
0x27: {  	s1 =	sld [smem:$0x3FAF]  }
0x28: {  	s2 =	sld [smem:$0x3FB0]  }
0x29: {  	s4 =	sld [smem:$0x3FB2]  }
0x2a: {  	p0 =	seq.s32 s5, $0x0;
	s5 =	sld [smem:$0x3FB3]  }
0x2b: {  	s6 =	sld [smem:$0x3FB4]  }
0x2c: {  	s7 =	sld [smem:$0x3FB5]  }
0x2d: {  	s3 =	simm.s32 $0x108;
	s8 =	sld [smem:$0x3FB6]  }
0x2e: {  	s3 =	simm.s32 @!p0 $0x1082;
	s9 =	sld [smem:$0x3FB7]  }
0x2f: {  	lr =	sadd.s32 s0, s3;
	s0 =	sld [smem:$0x3FAE]  }
0x30: {  	s3 =	sld [smem:$0x3FB1]  }
0x31: {  	[smem:$0x3FBA] =	sst s10  }
0x32: {  	s10 =	sld [smem:$0x3FB8];
	_ =	sdelay $0x3  }
0x33: {  	p0 =	seq.s32 s10, $0x1;
	s10 =	sld [smem:$0x3FBA];
	_ =	sdelay $0x3  }
0x34: {  	[smem:$0x3FBA] =	sst s10  }
0x35: {  	s10 =	sld [smem:$0x3FB9];
	_ =	sdelay $0x3  }
0x36: {  	p1 =	seq.s32 s10, $0x1;
	s10 =	sld [smem:$0x3FBA];
	_ =	sdelay $0x3  }
0x37: {  	[smem:$0x3FBA] =	sst s10  }
0x38: {  	s10 =	sld [smem:$0x3FBB]  }
0x39: {  	_ = 	snop;
	(pc) =	sbr.ind lr, $3  }
0x3a: {  	_ = 	snop  }
0x3b: {  	_ = 	snop  }
0x3c: {  	p2 =	seq.s32 s10, $0x1;
	s10 =	sld [smem:$0x3FBA]  }
0x3d: {  	_ =	shalt  }
0x3e: {  	_ =	shalt  }
0x3f: {  	_ =	shalt  }
0x40: {  	_ =	shalt  }
0x41: {  	_ =	shalt  }
0x42: {  	_ =	shalt  }
0x43: {  	_ =	shalt  }
0x44: {  	_ =	shalt  }
0x45: {  	_ =	shalt  }
0x46: {  	_ =	shalt  }
0x47: {  	_ =	shalt  }
0x48: {  	_ =	shalt  }
0x49: {  	_ =	shalt  }
0x4a: {  	_ =	shalt  }
0x4b: {  	_ =	shalt  }
0x4c: {  	_ =	shalt  }
0x4d: {  	_ =	shalt  }
0x4e: {  	_ =	shalt  }
0x4f: {  	_ =	shalt  }
0x50: {  	_ =	shalt  }
0x51: {  	_ =	shalt  }
0x52: {  	_ =	shalt  }
0x53: {  	_ =	shalt  }
0x54: {  	_ =	shalt  }
0x55: {  	_ =	shalt  }
0x56: {  	_ =	shalt  }
0x57: {  	_ =	shalt  }
0x58: {  	_ =	shalt  }
0x59: {  	_ =	shalt  }
0x5a: {  	_ =	shalt  }
0x5b: {  	_ =	shalt  }
0x5c: {  	_ =	shalt  }
0x5d: {  	_ =	shalt  }
0x5e: {  	_ =	shalt  }
0x5f: {  	_ =	shalt  }
0x60: {  	_ =	shalt  }
0x61: {  	_ =	shalt  }
0x62: {  	_ =	shalt  }
0x63: {  	_ =	shalt  }
0x64: {  	_ =	shalt  }
0x65: {  	_ =	shalt  }
0x66: {  	_ =	shalt  }
0x67: {  	_ =	shalt  }
0x68: {  	_ =	shalt  }
0x69: {  	_ =	shalt  }
0x6a: {  	_ =	shalt  }
0x6b: {  	_ =	shalt  }
0x6c: {  	_ =	shalt  }
0x6d: {  	_ =	shalt  }
0x6e: {  	_ =	shalt  }
0x6f: {  	_ =	shalt  }
0x70: {  	_ =	shalt  }
0x71: {  	_ =	shalt  }
0x72: {  	_ =	shalt  }
0x73: {  	_ =	shalt  }
0x74: {  	_ =	shalt  }
0x75: {  	_ =	shalt  }
0x76: {  	_ =	shalt  }
0x77: {  	_ =	shalt  }
0x78: {  	_ =	shalt  }
0x79: {  	_ =	shalt  }
0x7a: {  	_ =	shalt  }
0x7b: {  	_ =	shalt  }
0x7c: {  	_ =	shalt  }
0x7d: {  	_ =	shalt  }
0x7e: {  	_ =	shalt  }
0x7f: {  	_ =	shalt  }
0x80: {  	_ =	shalt  }
0x81: {  	_ =	shalt  }
0x82: {  	_ =	shalt  }
0x83: {  	_ =	shalt  }
0x84: {  	_ =	shalt  }
0x85: {  	_ =	shalt  }
0x86: {  	_ =	shalt  }
0x87: {  	_ =	shalt  }
.Lfunc_end0:
.L_simem_size_0:
called_computation_lowered:
.L_overlay_start_0:
0x88: {  	s2 =	sld [smem:$0x3FD9]  }
0x89: {  	s3 =	sld [smem:$0x3FFE];
	_ =	sdelay $0x1  }
0x8a: {  	s1 =	srdreg.scid  }
0x8b: {  	s0 =	sand.u32 $0x1, s1  }
0x8c: {  	s17 =	sshll.u32 s0, $0xA;
	s2 =	sadd.s32 s3, s2  }
0x8d: {  	s2 =	sadd.s32 s2, s17  }
0x8e: {  	[smem:$0x3FC6] =	sst s2  }
0x8f: {  	_ = 	snop  }
0x90: {  	s2 =	sld [smem:$0x3FC8]  }
0x91: {  	s18 =	sld [smem:$0x3FD0];
	(tm) =	ssettm $0x1  }
0x92: {  	s4 =	sld [smem:$0x3FFB];
	_ =	sdelay $0x3  }
0x93: {  	_ =	strace s4  }
0x94: {  	s4 =	sld [smem:$0x3FFC];
	_ =	sdelay $0x3  }
0x95: {  	_ =	strace s4  }
0x96: {  	s4 =	sld [smem:$0x3FFD];
	_ =	sdelay $0x3  }
0x97: {  	_ =	strace s4  }
0x98: {  	_ =	strace $0x8FFFFFFF  }
0x99: {  	s19 =	sld [smem:$0x3FDB];
	_ =	sdelay $0x1  }
0x9a: {  	s5 =	simm.s32 $_scs_section_size  }
0x9b: {  	s6 =	simm.s32 $_size__tile_overlayer_lowered;
	s7 =	simm.s32 $_tile_overlayer_lowered  }
0x9c: {  	s22 =	simm.s32 $0x1BFF;
	s21 =	sshll.u32 s7, $0x1;
	s4 =	sadd.s32 s5, s19  }
0x9d: {  	s8 =	simm.s32 $0x0;
	s20 =	sshll.u32 s6, $0x1;
	s6 =	sadd.s32 s21, s4  }
0x9e: {  	[timem:s8], [sflag:s22] =	dma.local [hbm:s6], s20  }
0x9f: {  	_ =	swait.ge [sflag:s22], s20  }
0xa0: {  	s5 =	ssub.s32 $0x0, s20;
	[sflag:s22] =	ssyncset.done $0x0  }
0xa1: {  	[sflag:s22] =	ssyncadd.s32 s5;
	_ =	sdelay $0x1  }
0xa2: {  	s23 =	simm.s32 $0x1B8B  }
0xa3: {  	_ =	swait.ge [sflag:s23], $0x1  }
0xa4: {  	[sflag:s23] =	ssyncset.done $0x0  }
0xa5: {  	s25 =	simm.s32 $0x1B8E;
	s24 =	sld [smem:$0x3FFE];
	[sflag:s23] =	ssyncadd.s32 $0xFFFFFFFF  }
0xa6: {  	s26 =	simm.s32 $execute0_lowered;
	[smem:$0x3FD2] =	sst s25  }
0xa7: {  	s6 =	sshll.u32 s26, $0x1;
	_ =	strace $0x80000046;
	[dreg:$0x1] =	wrdreg $0xFFFFFFFF  }
0xa8: {  	s28 =	simm.s32 $_size_execute0_lowered;
	s4 =	sadd.s32 s4, s6;
	[dreg:$0x0] =	wrdreg $0x0  }
0xa9: {  	s6 =	sshll.u32 s28, $0x1;
	[dreg:$0x2] =	wrdreg s4  }
0xaa: {  	[dreg:$0x3] =	wrdreg s6  }
0xab: {  	[dreg:$0x4] =	wrdreg $0xC0  }
0xac: {  	_ =	task [dreg:s8], $0x5FFFF  }
0xad: {  	[dreg:$0x1] =	wrdreg $0xFFFFFFFF  }
0xae: {  	[dreg:$0x0] =	wrdreg $0x60  }
0xaf: {  	[dreg:$0x2] =	wrdreg s2  }
0xb0: {  	[dreg:$0x3] =	wrdreg s18  }
0xb1: {  	[dreg:$0x4] =	wrdreg s24  }
0xb2: {  	[dreg:$0x5] =	wrdreg $0x9  }
0xb3: {  	_ =	task.clear_ibuf [dreg:s8], $0x6FFFF;
	_ =	strace $0x90000046  }
0xb4: {  	s29 =	simm.s32 $0x9;
	_ =	strace $0x80000048  }
0xb5: {  	_ =	swait.ge [sflag:s29], $0x1  }
0xb6: {  	[sflag:s29] =	ssyncadd.s32 $0xFFFFFFFF  }
0xb7: {  	_ =	strace $0x90000048  }
0xb8: {  	_ =	sfence  }
0xb9: {  	s30 =	sld [smem:$0x0];
	_ =	sdelay $0x2  }
0xba: {  	s31 =	sshll.u32 s1, $0xD;
	s1 =	sshrl.u32 s1, $0x2  }
0xbb: {  	s3 =	sand.u32 $0x4000, s31;
	s1 =	sadd.s32 s1, s30  }
0xbc: {  	s0 =	sor.u32 s3, s0;
	s1 =	sshll.u32 s1, $0x11  }
0xbd: {  	s0 =	sor.u32 s1, s0  }
0xbe: {  	s0 =	sadd.s32 $0x8F2B, s0  }
0xbf: {  	[sflag:s0] =	ssyncadd.remote.s32 $0x1  }
0xc0: {  	_ =	sfence.sel $0xFFFF  }
0xc1: {  	[dreg:$0x0] =	wrdreg $0xFFFFFFFF;
	(pc) =	sbr.abs _section_cstart, $3  }
0xc2: {  	[dreg:$0x1] =	wrdreg $0xFFFFFFFF  }
0xc3: {  	_ =	task.clear_ibuf [dreg:s8], $0x2FFFF;
	_ =	strace $0x9FFFFFFF  }
0xc4: {  	(tm) =	ssettm $0x7FFFFFFF  }
0xc5: {  	_ =	shalt  }
tec
execute0_lowered:
.L_overlay_start_1:
0x0: {  	(tag) =	ssettag $0x1  }
0x1: {  	s1 =	rddreg [dreg:$0x0]  }
0x2: {  	s0 =	srdreg.scid;
	s2 =	rddreg [dreg:$0x1]  }
0x3: {  	s11 =	stileid.u32;
	s4 =	rddreg [dreg:$0x2]  }
0x4: {  	s3 =	simm.s32 $0x0;
	s12 =	simm.s32 $0x32;
	s14 =	simm.s32 $0x8000  }
0x5: {  	s16 =	simm.s32 $0x9C00;
	s18 =	simm.s32 $0xB800;
	s20 =	simm.s32 $0xD400  }
0x6: {  	s22 =	simm.s32 $0xF000;
	s29 =	simm.s32 $0x14400;
	s30 =	simm.s32 $0x1  }
0x7: {  	s31 =	simm.s32 $0x2;
	s13 =	simm.s32 $0x5;
	s15 =	simm.s32 $0x6  }
0x8: {  	s17 =	simm.s32 $0x7;
	s19 =	simm.s32 $0x8;
	s21 =	simm.s32 $0x0  }
0x9: {  	s0 =	sand.u32 $0x1, s0;
	s5 =	sshll.u32 s11, $0x8;
	[smem:$0x7FF] =	sst s3  }
0xa: {  	s9 =	sadd.s32 $0x600, s4;
	s11 =	smul.u32 $0x38000, s11;
	s6 =	sshll.u32 s0, $0x7  }
0xb: {  	s24 =	ssub.s32 $0x2, s0;
	_ =	strace $0x80000047;
	s0 =	smul.u32 $0x1C000, s0  }
0xc: {  	s5 =	sor.u32 s6, s5;
	s8 =	sshrl.u32 s24, $0x1;
	s28 =	sadd.s32 s11, s9  }
0xd: {  	s11 =	simm.s32 $0x9;
	s7 =	smul.u32 $0x1C00, s5;
	s5 =	sshll.u32 s5, $0x4  }
0xe: {  	s10 =	ssub.s32 s24, s8;
	s24 =	simm.s32 $0x10C00;
	s2 =	sadd.s32 s2, s5  }
0xf: {  	s25 =	sshrl.u32 s7, $0x3;
	[dreg:$0x4] =	wrdreg s2;
	s2 =	simm.s32 $0x3  }
0x10: {  	s26 =	sadd.s32 s9, s25;
	s9 =	smax.u32 s10, $0x1;
	s10 =	sadd.s32 s0, s28  }
0x11: {  	s0 =	simm.s32 $0x4;
	s5 =	sadd.s32 $0x1A400, s26;
	s6 =	sadd.s32 $0x1AB00, s26  }
0x12: {  	s7 =	sadd.s32 $0x1B200, s26;
	s8 =	sadd.s32 $0x1B900, s26;
	s26 =	simm.s32 $0x12800  }
.LBB2_1:
0x13: {  	s4 =	rddreg [dreg:$0x4]  }
0x14: {  	[tilespmem:s3], [sflag:$0x9] =	stream.linear.gather [hbm4b:s4+s3], $0x4000, $0x38;
	[tilespmem:$0x16000] =	vst v63  }
0x15: {  	_ =	swait.ge [sflag:s11], $0x4000  }
0x16: {  	[sflag:s11] =	ssyncset.done $0x0  }
0x17: {  	s23 =	simm.s32 $0x0;
	[sflag:s11] =	ssyncadd.s32 $0xFFFFC000  }
0x18: {  	v2 =	vld [tilespmem:s23+$0x20]  }
0x19: {  	v1 =	vld [tilespmem:s23+$0x22]  }
0x1a: {  	v3 =	vld [tilespmem:s23+$0x0]  }
0x1b: {  	s25 =	simm.s32 $0x200;
	v0 =	vld [tilespmem:s23+$0x10]  }
.LBB2_2:
0x1c: {  	p0 =	sne.s32 s25, $0xFE00  }
.Ltmp0:
0x1d: {  	s28 =	sshra.s32 s25, $0x2;
	v4 =	vshra.s32 v2, $0x1;
	(pc) =	sbr.rel @p0 .LBB2_2-.Ltmp0, $4  }
0x1e: {  	s25 =	sadd.s32 $0x200, s25;
	v2 =	vld [tilespmem:s28+$0x20];
	[tilespmem:s23+$0x4020] =	vst v4;
	v4 =	vshra.s32 v1, $0x1  }
0x1f: {  	v1 =	vld [tilespmem:s28+$0x22];
	v5 =	vshra.s32 v3, $0x1;
	[tilespmem:s23+$0x4022] =	vst v4  }
0x20: {  	v3 =	vld [tilespmem:s28+$0x0];
	[tilespmem:s23+$0x4000] =	vst v5;
	v4 =	vshra.s32 v0, $0x1  }
0x21: {  	v0 =	vld [tilespmem:s28+$0x10];
	[tilespmem:s23+$0x4010] =	vst v4;
	s23 =	smov.u32 s28  }
0x22: {  	_ = 	snop  }
0x23: {  	v2 =	vshra.s32 v2, $0x1  }
0x24: {  	[tilespmem:s23+$0x4020] =	vst v2;
	v1 =	vshra.s32 v1, $0x1  }
0x25: {  	v63 =	vshra.s32 v3, $0x1;
	[tilespmem:s23+$0x4022] =	vst v1  }
0x26: {  	[tilespmem:s23+$0x4000] =	vst v63;
	v0 =	vshra.s32 v0, $0x1  }
0x27: {  	s4 =	simm.s32 $0x4000;
	[tilespmem:s23+$0x4010] =	vst v0  }
0x28: {  	[tilespmem:s14], [sflag:$0x1] =	stream.indirect.gather [hbm4b:s1+s12], $0x80, s4, s12, $0xb8;
	[tilespmem:$0x16000] =	vst v63  }
0x29: {  	s25 =	simm.s32 $0x4080  }
0x2a: {  	[tilespmem:s16], [sflag:$0x1] =	stream.indirect.gather [hbm4b:s1+s12], $0x80, s25, s12, $0xb8;
	[tilespmem:$0x16000] =	vst v63  }
0x2b: {  	s23 =	simm.s32 $0x4100  }
0x2c: {  	[tilespmem:s18], [sflag:$0x2] =	stream.indirect.gather [hbm4b:s1+s12], $0x80, s23, s12, $0xb8;
	[tilespmem:$0x16000] =	vst v63  }
0x2d: {  	s25 =	simm.s32 $0x4180  }
0x2e: {  	[tilespmem:s20], [sflag:$0x2] =	stream.indirect.gather [hbm4b:s1+s12], $0x80, s25, s12, $0xb8;
	[tilespmem:$0x16000] =	vst v63  }
0x2f: {  	s23 =	simm.s32 $0x4200  }
0x30: {  	[tilespmem:s22], [sflag:$0x3] =	stream.indirect.gather [hbm4b:s1+s12], $0x80, s23, s12, $0xb8;
	[tilespmem:$0x16000] =	vst v63  }
0x31: {  	s25 =	simm.s32 $0x4280  }
0x32: {  	[tilespmem:s24], [sflag:$0x3] =	stream.indirect.gather [hbm4b:s1+s12], $0x80, s25, s12, $0xb8;
	[tilespmem:$0x16000] =	vst v63  }
0x33: {  	s23 =	simm.s32 $0x4300  }
0x34: {  	[tilespmem:s26], [sflag:$0x4] =	stream.indirect.gather [hbm4b:s1+s12], $0x80, s23, s12, $0xb8;
	[tilespmem:$0x16000] =	vst v63  }
0x35: {  	s25 =	simm.s32 $0x4380  }
0x36: {  	[tilespmem:s29], [sflag:$0x4] =	stream.indirect.gather [hbm4b:s1+s12], $0x80, s25, s12, $0xb8;
	[tilespmem:$0x16000] =	vst v63  }
0x37: {  	_ =	swait.ge [sflag:s30], $0x3200  }
0x38: {  	[sflag:s30] =	ssyncset.done $0x0  }
0x39: {  	[sflag:s30] =	ssyncadd.s32 $0xFFFFCE00  }
0x3a: {  	[hbm4b:s10+s3] =	stream.linear.scatter [tilespmem:s14], [sflag:$0x5], $0x1900, $0x38;
	[tilespmem:$0x16000] =	vst v63  }
0x3b: {  	s4 =	sadd.s32 $0x380, s10  }
0x3c: {  	[hbm4b:s4+s3] =	stream.linear.scatter [tilespmem:s16], [sflag:$0x5], $0x1900, $0x38;
	[tilespmem:$0x16000] =	vst v63  }
0x3d: {  	_ =	swait.ge [sflag:s31], $0x3200  }
0x3e: {  	[sflag:s31] =	ssyncset.done $0x0  }
0x3f: {  	s25 =	sadd.s32 $0x700, s10;
	[sflag:s31] =	ssyncadd.s32 $0xFFFFCE00  }
0x40: {  	[hbm4b:s25+s3] =	stream.linear.scatter [tilespmem:s18], [sflag:$0x6], $0x1900, $0x38;
	[tilespmem:$0x16000] =	vst v63  }
0x41: {  	s4 =	sadd.s32 $0xA80, s10  }
0x42: {  	[hbm4b:s4+s3] =	stream.linear.scatter [tilespmem:s20], [sflag:$0x6], $0x1900, $0x38;
	[tilespmem:$0x16000] =	vst v63  }
0x43: {  	_ =	swait.ge [sflag:s2], $0x3200  }
0x44: {  	[sflag:s2] =	ssyncset.done $0x0  }
0x45: {  	s25 =	sadd.s32 $0xE00, s10;
	[sflag:s2] =	ssyncadd.s32 $0xFFFFCE00  }
0x46: {  	[hbm4b:s25+s3] =	stream.linear.scatter [tilespmem:s22], [sflag:$0x7], $0x1900, $0x38;
	[tilespmem:$0x16000] =	vst v63  }
0x47: {  	s4 =	sadd.s32 $0x1180, s10  }
0x48: {  	[hbm4b:s4+s3] =	stream.linear.scatter [tilespmem:s24], [sflag:$0x7], $0x1900, $0x38;
	[tilespmem:$0x16000] =	vst v63  }
0x49: {  	_ =	swait.ge [sflag:s0], $0x3200  }
0x4a: {  	[sflag:s0] =	ssyncset.done $0x0  }
0x4b: {  	s25 =	sadd.s32 $0x1500, s10;
	[sflag:s0] =	ssyncadd.s32 $0xFFFFCE00  }
0x4c: {  	[hbm4b:s25+s3] =	stream.linear.scatter [tilespmem:s26], [sflag:$0x8], $0x1900, $0x38;
	[tilespmem:$0x16000] =	vst v63  }
0x4d: {  	s4 =	sadd.s32 $0x1880, s10  }
0x4e: {  	[hbm4b:s4+s3] =	stream.linear.scatter [tilespmem:s29], [sflag:$0x8], $0x1900, $0x38;
	[tilespmem:$0x16000] =	vst v63  }
0x4f: {  	_ =	swait.ge [sflag:s13], $0x3200  }
0x50: {  	[sflag:s13] =	ssyncset.done $0x0  }
0x51: {  	s25 =	simm.s32 $0x4400;
	[sflag:s13] =	ssyncadd.s32 $0xFFFFCE00  }
0x52: {  	[tilespmem:s14], [sflag:$0x1] =	stream.indirect.gather [hbm4b:s1+s12], $0x80, s25, s12, $0xb8;
	[tilespmem:$0x16000] =	vst v63  }
0x53: {  	s4 =	simm.s32 $0x4480  }
0x54: {  	[tilespmem:s16], [sflag:$0x1] =	stream.indirect.gather [hbm4b:s1+s12], $0x80, s4, s12, $0xb8;
	[tilespmem:$0x16000] =	vst v63  }
0x55: {  	_ =	swait.ge [sflag:s15], $0x3200  }
0x56: {  	[sflag:s15] =	ssyncset.done $0x0  }
0x57: {  	s25 =	simm.s32 $0x4500;
	[sflag:s15] =	ssyncadd.s32 $0xFFFFCE00  }
0x58: {  	[tilespmem:s18], [sflag:$0x2] =	stream.indirect.gather [hbm4b:s1+s12], $0x80, s25, s12, $0xb8;
	[tilespmem:$0x16000] =	vst v63  }
0x59: {  	s4 =	simm.s32 $0x4580  }
0x5a: {  	[tilespmem:s20], [sflag:$0x2] =	stream.indirect.gather [hbm4b:s1+s12], $0x80, s4, s12, $0xb8;
	[tilespmem:$0x16000] =	vst v63  }
0x5b: {  	_ =	swait.ge [sflag:s17], $0x3200  }
0x5c: {  	[sflag:s17] =	ssyncset.done $0x0  }
0x5d: {  	s25 =	simm.s32 $0x4600;
	[sflag:s17] =	ssyncadd.s32 $0xFFFFCE00  }
0x5e: {  	[tilespmem:s22], [sflag:$0x3] =	stream.indirect.gather [hbm4b:s1+s12], $0x80, s25, s12, $0xb8;
	[tilespmem:$0x16000] =	vst v63  }
0x5f: {  	s4 =	simm.s32 $0x4680  }
0x60: {  	[tilespmem:s24], [sflag:$0x3] =	stream.indirect.gather [hbm4b:s1+s12], $0x80, s4, s12, $0xb8;
	[tilespmem:$0x16000] =	vst v63  }
0x61: {  	_ =	swait.ge [sflag:s19], $0x3200  }
0x62: {  	[sflag:s19] =	ssyncset.done $0x0  }
0x63: {  	s25 =	simm.s32 $0x4700;
	[sflag:s19] =	ssyncadd.s32 $0xFFFFCE00  }
0x64: {  	[tilespmem:s26], [sflag:$0x4] =	stream.indirect.gather [hbm4b:s1+s12], $0x80, s25, s12, $0xb8;
	[tilespmem:$0x16000] =	vst v63  }
0x65: {  	s28 =	simm.s32 $0x4780;
	s23 =	simm.s32 $0x1000;
	s25 =	sadd.s32 $0x1C00, s10  }
.LBB2_4:
0x66: {  	[tilespmem:s29], [sflag:$0x4] =	stream.indirect.gather [hbm4b:s1+s12], $0x80, s28, s12, $0xb8;
	[tilespmem:$0x16000] =	vst v63  }
0x67: {  	s28 =	smov.u32 s23  }
0x68: {  	p0 =	sne.s32 s23, $0xE000;
	s23 =	sadd.s32 $0x1000, s23;
	_ =	swait.ge [sflag:s30], $0x3200  }
0x69: {  	[sflag:s30] =	ssyncset.done $0x0  }
0x6a: {  	[sflag:s30] =	ssyncadd.s32 $0xFFFFCE00  }
0x6b: {  	[hbm4b:s25+s3] =	stream.linear.scatter [tilespmem:s14], [sflag:$0x5], $0x1900, $0x38;
	[tilespmem:$0x16000] =	vst v63  }
0x6c: {  	s4 =	sadd.s32 $0x380, s25  }
0x6d: {  	[hbm4b:s4+s3] =	stream.linear.scatter [tilespmem:s16], [sflag:$0x5], $0x1900, $0x38;
	[tilespmem:$0x16000] =	vst v63  }
0x6e: {  	_ =	swait.ge [sflag:s31], $0x3200  }
0x6f: {  	[sflag:s31] =	ssyncset.done $0x0  }
0x70: {  	s4 =	sadd.s32 $0x700, s25;
	[sflag:s31] =	ssyncadd.s32 $0xFFFFCE00  }
0x71: {  	[hbm4b:s4+s3] =	stream.linear.scatter [tilespmem:s18], [sflag:$0x6], $0x1900, $0x38;
	[tilespmem:$0x16000] =	vst v63  }
0x72: {  	s4 =	sadd.s32 $0xA80, s25  }
0x73: {  	[hbm4b:s4+s3] =	stream.linear.scatter [tilespmem:s20], [sflag:$0x6], $0x1900, $0x38;
	[tilespmem:$0x16000] =	vst v63  }
0x74: {  	_ =	swait.ge [sflag:s2], $0x3200  }
0x75: {  	[sflag:s2] =	ssyncset.done $0x0  }
0x76: {  	s4 =	sadd.s32 $0xE00, s25;
	[sflag:s2] =	ssyncadd.s32 $0xFFFFCE00  }
0x77: {  	[hbm4b:s4+s3] =	stream.linear.scatter [tilespmem:s22], [sflag:$0x7], $0x1900, $0x38;
	[tilespmem:$0x16000] =	vst v63  }
0x78: {  	s4 =	sadd.s32 $0x1180, s25  }
0x79: {  	[hbm4b:s4+s3] =	stream.linear.scatter [tilespmem:s24], [sflag:$0x7], $0x1900, $0x38;
	[tilespmem:$0x16000] =	vst v63  }
0x7a: {  	_ =	swait.ge [sflag:s0], $0x3200  }
0x7b: {  	[sflag:s0] =	ssyncset.done $0x0  }
0x7c: {  	s4 =	sadd.s32 $0x1500, s25;
	[sflag:s0] =	ssyncadd.s32 $0xFFFFCE00  }
0x7d: {  	[hbm4b:s4+s3] =	stream.linear.scatter [tilespmem:s26], [sflag:$0x8], $0x1900, $0x38;
	[tilespmem:$0x16000] =	vst v63  }
0x7e: {  	s4 =	sadd.s32 $0x1880, s25  }
0x7f: {  	[hbm4b:s4+s3] =	stream.linear.scatter [tilespmem:s29], [sflag:$0x8], $0x1900, $0x38;
	[tilespmem:$0x16000] =	vst v63  }
0x80: {  	_ =	swait.ge [sflag:s13], $0x3200  }
0x81: {  	s4 =	sshra.s32 s28, $0x2;
	[sflag:s13] =	ssyncset.done $0x0  }
0x82: {  	s28 =	sadd.s32 $0x4400, s4;
	[sflag:s13] =	ssyncadd.s32 $0xFFFFCE00  }
0x83: {  	[tilespmem:s14], [sflag:$0x1] =	stream.indirect.gather [hbm4b:s1+s12], $0x80, s28, s12, $0xb8;
	[tilespmem:$0x16000] =	vst v63  }
0x84: {  	s28 =	sadd.s32 $0x4480, s4  }
0x85: {  	[tilespmem:s16], [sflag:$0x1] =	stream.indirect.gather [hbm4b:s1+s12], $0x80, s28, s12, $0xb8;
	[tilespmem:$0x16000] =	vst v63  }
0x86: {  	_ =	swait.ge [sflag:s15], $0x3200  }
0x87: {  	[sflag:s15] =	ssyncset.done $0x0  }
0x88: {  	s28 =	sadd.s32 $0x4500, s4;
	[sflag:s15] =	ssyncadd.s32 $0xFFFFCE00  }
0x89: {  	[tilespmem:s18], [sflag:$0x2] =	stream.indirect.gather [hbm4b:s1+s12], $0x80, s28, s12, $0xb8;
	[tilespmem:$0x16000] =	vst v63  }
0x8a: {  	s28 =	sadd.s32 $0x4580, s4  }
0x8b: {  	[tilespmem:s20], [sflag:$0x2] =	stream.indirect.gather [hbm4b:s1+s12], $0x80, s28, s12, $0xb8;
	[tilespmem:$0x16000] =	vst v63  }
0x8c: {  	_ =	swait.ge [sflag:s17], $0x3200  }
0x8d: {  	[sflag:s17] =	ssyncset.done $0x0  }
0x8e: {  	s28 =	sadd.s32 $0x4600, s4;
	[sflag:s17] =	ssyncadd.s32 $0xFFFFCE00  }
0x8f: {  	[tilespmem:s22], [sflag:$0x3] =	stream.indirect.gather [hbm4b:s1+s12], $0x80, s28, s12, $0xb8;
	[tilespmem:$0x16000] =	vst v63  }
0x90: {  	s28 =	sadd.s32 $0x4680, s4  }
0x91: {  	[tilespmem:s24], [sflag:$0x3] =	stream.indirect.gather [hbm4b:s1+s12], $0x80, s28, s12, $0xb8;
	[tilespmem:$0x16000] =	vst v63  }
.Ltmp1:
0x92: {  	_ =	swait.ge [sflag:s19], $0x3200;
	(pc) =	sbr.rel @p0 .LBB2_4-.Ltmp1, $4  }
0x93: {  	[sflag:s19] =	ssyncset.done $0x0  }
0x94: {  	s28 =	sadd.s32 $0x4700, s4;
	[sflag:s19] =	ssyncadd.s32 $0xFFFFCE00  }
0x95: {  	[tilespmem:s26], [sflag:$0x4] =	stream.indirect.gather [hbm4b:s1+s12], $0x80, s28, s12, $0xb8;
	[tilespmem:$0x16000] =	vst v63  }
0x96: {  	s25 =	sadd.s32 $0x1C00, s25;
	s28 =	sadd.s32 $0x4780, s4  }
0x97: {  	[tilespmem:s29], [sflag:$0x4] =	stream.indirect.gather [hbm4b:s1+s12], $0x80, s28, s12, $0xb8;
	[tilespmem:$0x16000] =	vst v63  }
0x98: {  	_ =	swait.ge [sflag:s30], $0x3200  }
0x99: {  	[sflag:s30] =	ssyncset.done $0x0  }
0x9a: {  	[sflag:s30] =	ssyncadd.s32 $0xFFFFCE00  }
0x9b: {  	[hbm4b:s5+s3] =	stream.linear.scatter [tilespmem:s14], [sflag:$0x5], $0x1900, $0x38;
	[tilespmem:$0x16000] =	vst v63  }
0x9c: {  	s4 =	sadd.s32 $0x380, s5  }
0x9d: {  	[hbm4b:s4+s3] =	stream.linear.scatter [tilespmem:s16], [sflag:$0x5], $0x1900, $0x38;
	[tilespmem:$0x16000] =	vst v63  }
0x9e: {  	_ =	swait.ge [sflag:s31], $0x3200  }
0x9f: {  	[sflag:s31] =	ssyncset.done $0x0  }
0xa0: {  	[sflag:s31] =	ssyncadd.s32 $0xFFFFCE00  }
0xa1: {  	[hbm4b:s6+s3] =	stream.linear.scatter [tilespmem:s18], [sflag:$0x6], $0x1900, $0x38;
	[tilespmem:$0x16000] =	vst v63  }
0xa2: {  	s23 =	sadd.s32 $0x380, s6  }
0xa3: {  	[hbm4b:s23+s3] =	stream.linear.scatter [tilespmem:s20], [sflag:$0x6], $0x1900, $0x38;
	[tilespmem:$0x16000] =	vst v63  }
0xa4: {  	_ =	swait.ge [sflag:s2], $0x3200  }
0xa5: {  	[sflag:s2] =	ssyncset.done $0x0  }
0xa6: {  	[sflag:s2] =	ssyncadd.s32 $0xFFFFCE00  }
0xa7: {  	[hbm4b:s7+s3] =	stream.linear.scatter [tilespmem:s22], [sflag:$0x7], $0x1900, $0x38;
	[tilespmem:$0x16000] =	vst v63  }
0xa8: {  	s25 =	sadd.s32 $0x380, s7  }
0xa9: {  	[hbm4b:s25+s3] =	stream.linear.scatter [tilespmem:s24], [sflag:$0x7], $0x1900, $0x38;
	[tilespmem:$0x16000] =	vst v63  }
0xaa: {  	_ =	swait.ge [sflag:s0], $0x3200  }
0xab: {  	[sflag:s0] =	ssyncset.done $0x0  }
0xac: {  	[sflag:s0] =	ssyncadd.s32 $0xFFFFCE00  }
0xad: {  	[hbm4b:s8+s3] =	stream.linear.scatter [tilespmem:s26], [sflag:$0x8], $0x1900, $0x38;
	[tilespmem:$0x16000] =	vst v63  }
0xae: {  	s28 =	sadd.s32 $0x380, s8  }
0xaf: {  	[hbm4b:s28+s3] =	stream.linear.scatter [tilespmem:s29], [sflag:$0x8], $0x1900, $0x38;
	[tilespmem:$0x16000] =	vst v63  }
0xb0: {  	_ =	swait.ge [sflag:s13], $0x3200  }
0xb1: {  	[sflag:s13] =	ssyncset.done $0x0  }
0xb2: {  	[sflag:s13] =	ssyncadd.s32 $0xFFFFCE00  }
0xb3: {  	_ =	swait.ge [sflag:s15], $0x3200  }
0xb4: {  	[sflag:s15] =	ssyncset.done $0x0  }
0xb5: {  	s21 =	sadd.s32 $0x1, s21;
	[sflag:s15] =	ssyncadd.s32 $0xFFFFCE00  }
0xb6: {  	p0 =	sne.s32 s21, s9;
	_ =	swait.ge [sflag:s17], $0x3200  }
.Ltmp2:
0xb7: {  	[sflag:s17] =	ssyncset.done $0x0;
	(pc) =	sbr.rel @p0 .LBB2_1-.Ltmp2, $4  }
0xb8: {  	[sflag:s17] =	ssyncadd.s32 $0xFFFFCE00  }
0xb9: {  	_ =	swait.ge [sflag:s19], $0x3200  }
0xba: {  	[sflag:s19] =	ssyncset.done $0x0  }
0xbb: {  	[sflag:s19] =	ssyncadd.s32 $0xFFFFCE00  }
0xbc: {  	_ =	sfence.sel $0x180000  }
0xbd: {  	[bflag:$0x0] =	sbarrier.arrive $0xFFFF  }
0xbe: {  	_ =	strace $0x90000047  }
0xbf: {  	s0 =	stileid.u32;
	[bflag:$0x2] =	sbarrier.arrive $0xFFFF  }
0xc0: {  	p0 =	sne.s32 s0, $0x0;
	s0 =	rddreg [dreg:$0x3]  }
0xc1: {  	s0 =	sadd.s32 @!p0 $0x100000, s0  }
0xc2: {  	[sflag:s0] =	ssyncadd.tile.s32 @!p0 $0x1;
	_ =	shalt  }
.Lfunc_end2:
_tile_overlayer_lowered:
.L_overlay_start_2:
0xc3: {  	(tag) =	ssettag $0x2  }
0xc4: {  	s0 =	rddreg [dreg:$0x0];
	s2 =	stileid.u32  }
0xc5: {  	s1 =	rddreg [dreg:$0x1];
	p0 =	sne.s32 s2, $0x0  }
0xc6: {  	s3 =	rddreg [dreg:$0x2];
	[bflag:$0x3] =	sbarrier.arrive $0xFFFF;
	s2 =	simm.s32 @!p0 $0x1C09  }
0xc7: {  	[timem:s3], [sflag:s2] =	dma.local @!p0 [hbm:s0], s1  }
0xc8: {  	s0 =	simm.s32 @!p0 $0x9  }
0xc9: {  	_ =	swait.ge @!p0 [sflag:s0], s1  }
0xca: {  	s1 =	ssub.s32 @!p0 $0x0, s1;
	[sflag:s0] =	ssyncset.done @!p0 $0x0  }
0xcb: {  	[sflag:s0] =	ssyncadd.s32 @!p0 s1  }
0xcc: {  	[bflag:$0x3] =	sbarrier.arrive $0xFFFF  }
0xcd: {  	_ =	shalt  }

</sc_bundles>
